<compile_context>
chip_gen: v7x
topology: tpu7x:2x2x1
jax: 0.10.2.dev20260603
libtpu: 0.0.44.dev20260713+nightly
codegen_flags: <defaults>
</compile_context>

<pallas_src>
import functools

import jax
import jax.numpy as jnp
from jax import lax
from jax.experimental import pallas as pl
from jax.experimental.pallas import tpu as pltpu
from jax.experimental.pallas import tpu_sc as plsc

_B, _CIMG, _H, _W = 4, 256, 52, 52
_HW = _H * _W
_CLID = 1024
_HID = 256
_NPTS = 32768
_EPS = 1e-5
_NW = 32
_PW = (_B * _NPTS) // _NW
_GROUPS = _PW // 16
_WPB = _NW // _B


def _sc_mask_body(coords_hbm, out_hbm, xs_v, ys_v, mask_v):
    wid = lax.axis_index("s") * 2 + lax.axis_index("c")
    b = wid // _WPB
    base = (wid % _WPB) * _PW

    def _zero(i, c):
        mask_v[pl.ds(i * 16, 16)] = jnp.zeros((16,), jnp.float32)
        return c

    lax.fori_loop(0, _HW // 16, _zero, 0)

    pltpu.sync_copy(coords_hbm.at[2 * b, pl.ds(base, _PW)], xs_v)
    pltpu.sync_copy(coords_hbm.at[2 * b + 1, pl.ds(base, _PW)], ys_v)

    ones = jnp.ones((16,), jnp.float32)

    def _body(i, c):
        xs = xs_v[pl.ds(i * 16, 16)]
        ys = ys_v[pl.ds(i * 16, 16)]
        qx = xs * 52.0 / 416.0
        qy = ys * 52.0 / 416.0
        cx = qx.astype(jnp.int32)
        cy = qy.astype(jnp.int32)
        valid = (xs >= 0.0) & (ys >= 0.0) & (cx < _W) & (cy < _H)
        pix = cy * _W + cx
        plsc.store_scatter(mask_v, [pix], ones, mask=valid)
        return c

    lax.fori_loop(0, _GROUPS, _body, 0)
    pltpu.sync_copy(mask_v, out_hbm.at[wid])


@functools.lru_cache(maxsize=1)
def _sc_mask():
    return functools.partial(
        pl.kernel,
        out_type=jax.ShapeDtypeStruct((_NW, _HW), jnp.float32),
        mesh=plsc.VectorSubcoreMesh(core_axis_name="c", subcore_axis_name="s"),
        compiler_params=pltpu.CompilerParams(needs_layout_passes=False),
        scratch_types=[
            pltpu.VMEM((_PW,), jnp.float32),
            pltpu.VMEM((_PW,), jnp.float32),
            pltpu.VMEM((_HW,), jnp.float32),
        ],
    )(_sc_mask_body)


def _fused_body(img_ref, lid_ref, m32_ref, wimg_ref, wlid_ref,
                w1_ref, w2_ref, b2_ref, bc_ref, wt_ref, wout_ref,
                out_ref, g_s, st_s, img_s):
    i = pl.program_id(0)
    b = i % _B

    @pl.when(i < _B)
    def _phase1():
        _phase1_work(img_ref, lid_ref, m32_ref, wimg_ref, wlid_ref,
                     w1_ref, w2_ref, b2_ref, bc_ref, wt_ref, g_s, st_s,
                     img_s, b)

    @pl.when(i >= _B)
    def _phase2():
        g = g_s[b]
        x_res = img_s[b]
        inv_n = 1.0 / float(_B * _HW)
        mean = st_s[:, 0:1] * inv_n
        var = st_s[:, 1:2] * inv_n - mean * mean
        scale = bc_ref[:, 4:5] * lax.rsqrt(var + _EPS)
        y = jnp.maximum((g - mean) * scale + bc_ref[:, 5:6], 0.0)
        out = jnp.dot(wout_ref[...].astype(jnp.bfloat16), y.astype(jnp.bfloat16),
                      preferred_element_type=jnp.float32) + bc_ref[:, 6:7]
        out_ref[0] = out + x_res


def _phase1_work(img_ref, lid_ref, m32_ref, wimg_ref, wlid_ref,
                 w1_ref, w2_ref, b2_ref, bc_ref, wt_ref, g_ref, st_ref,
                 img_s, b):
    x = img_ref[0]
    img_s[b] = x
    xb = x.astype(jnp.bfloat16)
    bimg = bc_ref[:, 0:1]
    blid = bc_ref[:, 1:2]
    b1 = bc_ref[:, 2:3]
    bfuse = bc_ref[:, 3:4]

    img_red = jnp.dot(wimg_ref[...].astype(jnp.bfloat16), xb,
                      preferred_element_type=jnp.float32) + bimg

    V = lax.dot_general(wlid_ref[...], lid_ref[...],
                        (((1,), (1,)), ((), ())),
                        preferred_element_type=jnp.float32)
    oh = (lax.broadcasted_iota(jnp.int32, (1, _B), 1) == b).astype(jnp.float32)
    v_b = jnp.sum(V * oh, axis=1, keepdims=True)

    occ = (jnp.sum(m32_ref[...], axis=0, keepdims=True) > 0.0
           ).astype(jnp.float32)
    lid_red = v_b * occ + blid

    irb = img_red.astype(jnp.bfloat16)
    lrb = lid_red.astype(jnp.bfloat16)
    w1b16 = w1_ref[...].astype(jnp.bfloat16)
    a1 = jnp.dot(w1b16[:, :_HID], irb, preferred_element_type=jnp.float32)
    a1 = a1 + jnp.dot(w1b16[:, _HID:], lrb,
                      preferred_element_type=jnp.float32) + b1
    a1 = jnp.maximum(a1, 0.0)

    wd = (w2_ref[0:1, :] - w2_ref[1:2, :]).astype(jnp.bfloat16)
    b2d = b2_ref[:, 0:1] - b2_ref[:, 1:2]
    d = jnp.dot(wd, a1.astype(jnp.bfloat16),
                preferred_element_type=jnp.float32) + b2d
    iw = 1.0 / (1.0 + jnp.exp(-d))
    iwb = iw.astype(jnp.bfloat16)
    fb = irb * iwb + lrb * (jnp.bfloat16(1.0) - iwb)

    zpad = jnp.zeros((_HID, 53), jnp.bfloat16)
    padded = jnp.concatenate([zpad, fb, zpad], axis=1)
    p = lax.broadcasted_iota(jnp.int32, (1, _HW), 1)
    px = p % _W
    py = p // _W
    acc = bfuse + jnp.zeros((_HID, _HW), jnp.float32)
    k = 0
    for dy in (-1, 0, 1):
        for dx in (-1, 0, 1):
            off = dy * _W + dx
            sl = padded[:, 53 + off:53 + off + _HW]
            t = jnp.dot(wt_ref[k].astype(jnp.bfloat16), sl,
                        preferred_element_type=jnp.float32)
            m = ((px + dx >= 0) & (px + dx < _W) &
                 (py + dy >= 0) & (py + dy < _H)).astype(jnp.float32)
            acc = acc + t * m
            k += 1

    g_ref[b] = acc
    s1 = jnp.sum(acc, axis=1, keepdims=True)
    s2 = jnp.sum(acc * acc, axis=1, keepdims=True)
    contrib = jnp.concatenate([s1, s2], axis=1)

    @pl.when(b == 0)
    def _():
        st_ref[...] = contrib

    @pl.when(b != 0)
    def _():
        st_ref[...] += contrib


def _full(shape):
    return pl.BlockSpec(shape, lambda b: tuple(0 for _ in shape))


def _imap(i):
    return (jnp.where(i < _B, i, _B - 1), 0, 0)


_fused = pl.pallas_call(
    _fused_body,
    grid=(2 * _B,),
    in_specs=[
        pl.BlockSpec((1, _CIMG, _HW), _imap),
        _full((_B, _CLID)),
        pl.BlockSpec((_WPB, _HW), lambda i: (jnp.where(i < _B, i, _B - 1), 0)),
        _full((_HID, _CIMG)),
        _full((_HID, _CLID)),
        _full((_HID, 2 * _HID)),
        _full((2, _HID)),
        _full((1, 2)),
        _full((_HID, 7)),
        _full((9, _HID, _HID)),
        _full((_CIMG, _HID)),
    ],
    out_specs=pl.BlockSpec((1, _CIMG, _HW),
                           lambda i: (jnp.where(i < _B, 0, i - _B), 0, 0)),
    out_shape=jax.ShapeDtypeStruct((_B, _CIMG, _HW), jnp.float32),
    compiler_params=pltpu.CompilerParams(vmem_limit_bytes=100 * 1024 * 1024),
    scratch_shapes=[
        pltpu.VMEM((_B, _HID, _HW), jnp.float32),
        pltpu.VMEM((_HID, 2), jnp.float32),
        pltpu.VMEM((_B, _CIMG, _HW), jnp.float32),
    ],
)


def kernel(image_features, lidar_features, point_img_coords,
           w_img_red, b_img_red, w_lid_red, b_lid_red,
           w_att1, b_att1, w_att2, b_att2,
           w_fuse, b_fuse, bn_gamma, bn_beta, w_out, b_out):
    coords8 = jnp.transpose(point_img_coords, (0, 2, 1)).reshape(2 * _B, _NPTS)
    mask32 = _sc_mask()(coords8)

    bcols = jnp.stack([b_img_red, b_lid_red, b_att1, b_fuse,
                       bn_gamma, bn_beta, b_out], axis=1)
    w_taps = jnp.transpose(w_fuse, (2, 3, 0, 1)).reshape(9, _HID, _HID)

    img_flat = image_features.reshape(_B, _CIMG, _HW)
    out = _fused(img_flat, lidar_features, mask32,
                 w_img_red, w_lid_red, w_att1, w_att2,
                 b_att2.reshape(1, 2), bcols, w_taps, w_out)
    return out.reshape(_B, _CIMG, _H, _W)

# --- scband reference (transcript-rebuilt; emitter-appended) ---
"""Pipeline reference for scband-spatial-ilfusion-module-20212116095638 (READ-ONLY COPY).

The authoritative reference and input builder live on the scoring server;
editing this copy changes nothing except your own understanding.
"""

import jax, jax.numpy as jnp
import numpy as np

B, C_IMG, H, W = 4, 256, 52, 52
C_LID = 1024
HID = 256
N_PTS = 32768
EPS = 1e-5


def _conv1x1(x, w, b):
    # x: [B,C,H,W], w: [O,C], b: [O]
    return jnp.einsum('bchw,oc->bohw', x, w) + b[None, :, None, None]


def _conv3x3(x, w, b):
    # w: [O,I,3,3]
    out = jax.lax.conv_general_dilated(
        x, w, window_strides=(1, 1), padding='SAME',
        dimension_numbers=('NCHW', 'OIHW', 'NCHW'))
    return out + b[None, :, None, None]


def _batchnorm_train(x, gamma, beta):
    mean = jnp.mean(x, axis=(0, 2, 3), keepdims=True)
    var = jnp.var(x, axis=(0, 2, 3), keepdims=True)
    xn = (x - mean) / jnp.sqrt(var + EPS)
    return xn * gamma[None, :, None, None] + beta[None, :, None, None]


def setup_inputs(seed: int = 0) -> dict:
    key = jax.random.key(seed)
    ks = jax.random.split(key, 20)
    image_features = jax.random.normal(ks[0], (B, C_IMG, H, W), dtype=jnp.float32)
    lidar_features = jax.random.normal(ks[1], (B, C_LID), dtype=jnp.float32)
    point_img_coords = jax.random.randint(ks[2], (B, N_PTS, 2), 0, 416).astype(jnp.float32)
    s = 0.05
    params = {
        'w_img_red': jax.random.normal(ks[3], (HID, C_IMG), dtype=jnp.float32) * s,
        'b_img_red': jnp.zeros((HID,), dtype=jnp.float32),
        'w_lid_red': jax.random.normal(ks[4], (HID, C_LID), dtype=jnp.float32) * s,
        'b_lid_red': jnp.zeros((HID,), dtype=jnp.float32),
        'w_att1': jax.random.normal(ks[5], (HID, 2 * HID), dtype=jnp.float32) * s,
        'b_att1': jnp.zeros((HID,), dtype=jnp.float32),
        'w_att2': jax.random.normal(ks[6], (2, HID), dtype=jnp.float32) * s,
        'b_att2': jnp.zeros((2,), dtype=jnp.float32),
        'w_fuse': jax.random.normal(ks[7], (HID, HID, 3, 3), dtype=jnp.float32) * s,
        'b_fuse': jnp.zeros((HID,), dtype=jnp.float32),
        'bn_gamma': jnp.ones((HID,), dtype=jnp.float32),
        'bn_beta': jnp.zeros((HID,), dtype=jnp.float32),
        'w_out': jax.random.normal(ks[8], (C_IMG, HID), dtype=jnp.float32) * s,
        'b_out': jnp.zeros((C_IMG,), dtype=jnp.float32),
    }
    return {'image_features': image_features, 'lidar_features': lidar_features,
            'point_img_coords': point_img_coords, **params}


def reference(image_features, lidar_features, point_img_coords,
              w_img_red, b_img_red, w_lid_red, b_lid_red,
              w_att1, b_att1, w_att2, b_att2,
              w_fuse, b_fuse, bn_gamma, bn_beta, w_out, b_out):
    Bn, C, Hh, Ww = image_features.shape
    Cl = lidar_features.shape[1]
    # --- scatter lidar global feature into image-plane grid (memory-bound) ---
    cx = jnp.floor(point_img_coords[..., 0] * Ww / 416.0).astype(jnp.int32)  # [B,N]
    cy = jnp.floor(point_img_coords[..., 1] * Hh / 416.0).astype(jnp.int32)
    valid = (cx >= 0) & (cx < Ww) & (cy >= 0) & (cy < Hh)
    xi = jnp.where(valid, cx, Ww)  # OOB -> dropped by scatter mode='drop'
    yi = jnp.where(valid, cy, Hh)
    bi = jnp.broadcast_to(jnp.arange(Bn)[:, None], cx.shape)
    bi_f, yi_f, xi_f = bi.reshape(-1), yi.reshape(-1), xi.reshape(-1)
    vals = lidar_features[bi_f]  # [B*N, Cl]; all duplicates within a batch write identical values
    grid = jnp.zeros((Bn, Hh, Ww, Cl), dtype=lidar_features.dtype)
    grid = grid.at[bi_f, yi_f, xi_f].set(vals, mode='drop')
    lidar_grid = jnp.transpose(grid, (0, 3, 1, 2))  # [B, Cl, H, W]
    # --- AdaptiveFusionBlock (residual variant) ---
    img_red = _conv1x1(image_features, w_img_red, b_img_red)
    lid_red = _conv1x1(lidar_grid, w_lid_red, b_lid_red)
    cat = jnp.concatenate([img_red, lid_red], axis=1)
    att = _conv1x1(cat, w_att1, b_att1)
    att = jax.nn.relu(att)
    att = _conv1x1(att, w_att2, b_att2)
    att = jax.nn.softmax(att, axis=1)
    iw = att[:, 0:1, :, :]
    lw = att[:, 1:2, :, :]
    fused = img_red * iw + lid_red * lw
    fused = _conv3x3(fused, w_fuse, b_fuse)
    fused = _batchnorm_train(fused, bn_gamma, bn_beta)
    fused = jax.nn.relu(fused)
    out = _conv1x1(fused, w_out, b_out) + image_features
    return out

if __name__ == "__main__":
    import jax
    _d = setup_inputs()
    print(jax.jit(kernel)(*tuple(_d.values())))

</pallas_src>

<mosaic_0001>
#map = affine_map<(d0, d1) -> (0, 0)>
module attributes {stable_mosaic.version = 14 : i64} {
  func.func @_sc_mask_body(%arg0: i32, %arg1: i32, %arg2: memref<8x32768xf32, #tpu.memory_space<hbm>>, %arg3: memref<32x2704xf32, #tpu.memory_space<hbm>>, %arg4: memref<4096xf32, #tpu.memory_space<vmem>>, %arg5: memref<4096xf32, #tpu.memory_space<vmem>>, %arg6: memref<2704xf32, #tpu.memory_space<vmem>>) attributes {dimension_semantics = [#tpu.dimension_semantics<core_parallel>, #tpu.dimension_semantics<subcore_parallel>], iteration_bounds = array<i64: 2, 16>, scalar_prefetch = 0 : i64, scratch_operands = 3 : i64, tpu.core_type = #tpu.core_type<sc_vector_subcore>, window_params = [{transform_indices = #map}, {transform_indices = #map}]} {
    %mul3A = arith.constant 2 : i32
    %mul3A_0 = arith.muli %arg1, %mul3A : i32
    %add3A = arith.addi %mul3A_0, %arg0 : i32
    %jit3A = arith.constant 8 : i32
    %div3A = arith.divsi %add3A, %jit3A : i32
    %sign3A = arith.constant 0 : i32
    %sign3A_1 = arith.cmpi sgt, %add3A, %sign3A : i32
    %sign3A_2 = arith.extui %sign3A_1 : i1 to i32
    %sign3A_3 = arith.constant 0 : i32
    %sign3A_4 = arith.cmpi slt, %add3A, %sign3A_3 : i32
    %sign3A_5 = arith.extui %sign3A_4 : i1 to i32
    %sign3A_6 = arith.subi %sign3A_2, %sign3A_5 : i32
    %sign3A_7 = arith.constant 0 : i32
    %sign3A_8 = arith.cmpi sgt, %jit3A, %sign3A_7 : i32
    %sign3A_9 = arith.extui %sign3A_8 : i1 to i32
    %sign3A_10 = arith.constant 0 : i32
    %sign3A_11 = arith.cmpi slt, %jit3A, %sign3A_10 : i32
    %sign3A_12 = arith.extui %sign3A_11 : i1 to i32
    %sign3A_13 = arith.subi %sign3A_9, %sign3A_12 : i32
    %ne3A = arith.cmpi ne, %sign3A_6, %sign3A_13 : i32
    %rem3A = arith.remsi %add3A, %jit3A : i32
    %ne3A_14 = arith.constant 0 : i32
    %ne3A_15 = arith.cmpi ne, %rem3A, %ne3A_14 : i32
    %and3A = arith.andi %ne3A, %ne3A_15 : i1
    %sub3A = arith.constant 1 : i32
    %sub3A_16 = arith.subi %div3A, %sub3A : i32
    %select_n3A = arith.select %and3A, %sub3A_16, %div3A : i32
    %jit3A_17 = arith.constant 8 : i32
    %eq3A = arith.constant 0 : i32
    %eq3A_18 = arith.cmpi eq, %jit3A_17, %eq3A : i32
    %jit3A_19 = arith.constant 1 : i32
    %select_n3A_20 = arith.select %eq3A_18, %jit3A_19, %jit3A_17 : i32
    %rem3A_21 = arith.remsi %add3A, %select_n3A_20 : i32
    %ne3A_22 = arith.constant 0 : i32
    %ne3A_23 = arith.cmpi ne, %rem3A_21, %ne3A_22 : i32
    %lt3A = arith.constant 0 : i32
    %lt3A_24 = arith.cmpi slt, %rem3A_21, %lt3A : i32
    %lt3A_25 = arith.constant 0 : i32
    %lt3A_26 = arith.cmpi slt, %select_n3A_20, %lt3A_25 : i32
    %ne3A_27 = arith.xori %lt3A_24, %lt3A_26 : i1
    %and3A_28 = arith.andi %ne3A_27, %ne3A_23 : i1
    %add3A_29 = arith.addi %rem3A_21, %select_n3A_20 : i32
    %select_n3A_30 = arith.select %and3A_28, %add3A_29, %rem3A_21 : i32
    %mul3A_31 = arith.constant 4096 : i32
    %mul3A_32 = arith.muli %select_n3A_30, %mul3A_31 : i32
    %scan3A = arith.constant 0 : i32
    %scan3A_33 = arith.constant 0 : i32
    %scan3A_34 = arith.constant 169 : i32
    %scan3A_35 = arith.addi %scan3A_33, %scan3A_34 : i32
    %scan3A_36 = arith.constant 1 : i32
    scf.for %scan3A_51 = %scan3A_33 to %scan3A_35 step %scan3A_36  : i32 {
      %broadcast_in_dim3A_52 = arith.constant 0.000000e+00 : f32
      %broadcast_in_dim3A_53 = vector.broadcast %broadcast_in_dim3A_52 : f32 to vector<16xf32>
      %mul3A_54 = arith.constant 16 : i32
      %mul3A_55 = arith.muli %scan3A_51, %mul3A_54 : i32
      %swap3A = arith.index_cast %mul3A_55 : i32 to index
      %swap3A_56 = tpu.vector_load %arg6[%swap3A] {strides = array<i32>} : memref<2704xf32, #tpu.memory_space<vmem>>, vector<16xf32>,
      tpu.vector_store %arg6[%swap3A], %broadcast_in_dim3A_53 {strides = array<i32>} : memref<2704xf32, #tpu.memory_space<vmem>>, vector<16xf32>,
    }
    %scan3A_37 = arith.constant 169 : i32
    %mul3A_38 = arith.constant 2 : i32
    %mul3A_39 = arith.muli %mul3A_38, %select_n3A : i32
    "tpu.region"() ({
      %run_scoped3A = tpu.sem_alloc : memref<!tpu.dma_semaphore, #tpu.memory_space<semaphore_mem>>
      %dma_start3A = tpu.memref_slice %arg2[%mul3A_39, %mul3A_32] : memref<8x32768xf32, #tpu.memory_space<hbm>> -> memref<1x4096xf32, #tpu.memory_space<hbm>>
      %dma_start3A_51 = tpu.memref_squeeze %dma_start3A : memref<1x4096xf32, #tpu.memory_space<hbm>> -> memref<4096xf32, #tpu.memory_space<hbm>>
      %dma_start3A_52 = tpu.memref_slice %arg2[%mul3A_39, %mul3A_32] : memref<8x32768xf32, #tpu.memory_space<hbm>> -> memref<1x4096xf32, #tpu.memory_space<hbm>>
      %dma_start3A_53 = tpu.memref_squeeze %dma_start3A_52 : memref<1x4096xf32, #tpu.memory_space<hbm>> -> memref<4096xf32, #tpu.memory_space<hbm>>
      tpu.enqueue_dma source(%dma_start3A_53 : memref<4096xf32, #tpu.memory_space<hbm>>) target(%arg4 : memref<4096xf32, #tpu.memory_space<vmem>>) target_semaphore(%run_scoped3A : memref<!tpu.dma_semaphore, #tpu.memory_space<semaphore_mem>>)
      %dma_wait3A = tpu.memref_slice %arg2[%mul3A_39, %mul3A_32] : memref<8x32768xf32, #tpu.memory_space<hbm>> -> memref<1x4096xf32, #tpu.memory_space<hbm>>
      %dma_wait3A_54 = tpu.memref_squeeze %dma_wait3A : memref<1x4096xf32, #tpu.memory_space<hbm>> -> memref<4096xf32, #tpu.memory_space<hbm>>
      %dma_wait3A_55 = tpu.memref_slice %arg2[%mul3A_39, %mul3A_32] : memref<8x32768xf32, #tpu.memory_space<hbm>> -> memref<1x4096xf32, #tpu.memory_space<hbm>>
      %dma_wait3A_56 = tpu.memref_squeeze %dma_wait3A_55 : memref<1x4096xf32, #tpu.memory_space<hbm>> -> memref<4096xf32, #tpu.memory_space<hbm>>
      tpu.wait_dma2 semaphore(%run_scoped3A : memref<!tpu.dma_semaphore, #tpu.memory_space<semaphore_mem>>) src(%dma_wait3A_56 : memref<4096xf32, #tpu.memory_space<hbm>>) dst(%arg4 : memref<4096xf32, #tpu.memory_space<vmem>>)
      tpu.yield
    }) : () -> ()
    %mul3A_40 = arith.constant 2 : i32
    %mul3A_41 = arith.muli %mul3A_40, %select_n3A : i32
    %add3A_42 = arith.constant 1 : i32
    %add3A_43 = arith.addi %mul3A_41, %add3A_42 : i32
    "tpu.region"() ({
      %run_scoped3A = tpu.sem_alloc : memref<!tpu.dma_semaphore, #tpu.memory_space<semaphore_mem>>
      %dma_start3A = tpu.memref_slice %arg2[%add3A_43, %mul3A_32] : memref<8x32768xf32, #tpu.memory_space<hbm>> -> memref<1x4096xf32, #tpu.memory_space<hbm>>
      %dma_start3A_51 = tpu.memref_squeeze %dma_start3A : memref<1x4096xf32, #tpu.memory_space<hbm>> -> memref<4096xf32, #tpu.memory_space<hbm>>
      %dma_start3A_52 = tpu.memref_slice %arg2[%add3A_43, %mul3A_32] : memref<8x32768xf32, #tpu.memory_space<hbm>> -> memref<1x4096xf32, #tpu.memory_space<hbm>>
      %dma_start3A_53 = tpu.memref_squeeze %dma_start3A_52 : memref<1x4096xf32, #tpu.memory_space<hbm>> -> memref<4096xf32, #tpu.memory_space<hbm>>
      tpu.enqueue_dma source(%dma_start3A_53 : memref<4096xf32, #tpu.memory_space<hbm>>) target(%arg5 : memref<4096xf32, #tpu.memory_space<vmem>>) target_semaphore(%run_scoped3A : memref<!tpu.dma_semaphore, #tpu.memory_space<semaphore_mem>>)
      %dma_wait3A = tpu.memref_slice %arg2[%add3A_43, %mul3A_32] : memref<8x32768xf32, #tpu.memory_space<hbm>> -> memref<1x4096xf32, #tpu.memory_space<hbm>>
      %dma_wait3A_54 = tpu.memref_squeeze %dma_wait3A : memref<1x4096xf32, #tpu.memory_space<hbm>> -> memref<4096xf32, #tpu.memory_space<hbm>>
      %dma_wait3A_55 = tpu.memref_slice %arg2[%add3A_43, %mul3A_32] : memref<8x32768xf32, #tpu.memory_space<hbm>> -> memref<1x4096xf32, #tpu.memory_space<hbm>>
      %dma_wait3A_56 = tpu.memref_squeeze %dma_wait3A_55 : memref<1x4096xf32, #tpu.memory_space<hbm>> -> memref<4096xf32, #tpu.memory_space<hbm>>
      tpu.wait_dma2 semaphore(%run_scoped3A : memref<!tpu.dma_semaphore, #tpu.memory_space<semaphore_mem>>) src(%dma_wait3A_56 : memref<4096xf32, #tpu.memory_space<hbm>>) dst(%arg5 : memref<4096xf32, #tpu.memory_space<vmem>>)
      tpu.yield
    }) : () -> ()
    %broadcast_in_dim3A = arith.constant 1.000000e+00 : f32
    %broadcast_in_dim3A_44 = vector.broadcast %broadcast_in_dim3A : f32 to vector<16xf32>
    %scan3A_45 = arith.constant 0 : i32
    %scan3A_46 = arith.constant 0 : i32
    %scan3A_47 = arith.constant 256 : i32
    %scan3A_48 = arith.addi %scan3A_46, %scan3A_47 : i32
    %scan3A_49 = arith.constant 1 : i32
    scf.for %scan3A_51 = %scan3A_46 to %scan3A_48 step %scan3A_49  : i32 {
      %mul3A_52 = arith.constant 16 : i32
      %mul3A_53 = arith.muli %scan3A_51, %mul3A_52 : i32
      %get3A = arith.index_cast %mul3A_53 : i32 to index
      %get3A_54 = tpu.vector_load %arg4[%get3A] {strides = array<i32>} : memref<4096xf32, #tpu.memory_space<vmem>>, vector<16xf32>,
      %mul3A_55 = arith.constant 16 : i32
      %mul3A_56 = arith.muli %scan3A_51, %mul3A_55 : i32
      %get3A_57 = arith.index_cast %mul3A_56 : i32 to index
      %get3A_58 = tpu.vector_load %arg5[%get3A_57] {strides = array<i32>} : memref<4096xf32, #tpu.memory_space<vmem>>, vector<16xf32>,
      %mul3A_59 = arith.constant 5.200000e+01 : f32
      %mul3A_60 = vector.broadcast %mul3A_59 : f32 to vector<16xf32>
      %mul3A_61 = arith.mulf %get3A_54, %mul3A_60 : vector<16xf32>
      %div3A_62 = arith.constant 4.160000e+02 : f32
      %div3A_63 = vector.broadcast %div3A_62 : f32 to vector<16xf32>
      %div3A_64 = arith.divf %mul3A_61, %div3A_63 : vector<16xf32>
      %mul3A_65 = arith.constant 5.200000e+01 : f32
      %mul3A_66 = vector.broadcast %mul3A_65 : f32 to vector<16xf32>
      %mul3A_67 = arith.mulf %get3A_58, %mul3A_66 : vector<16xf32>
      %div3A_68 = arith.constant 4.160000e+02 : f32
      %div3A_69 = vector.broadcast %div3A_68 : f32 to vector<16xf32>
      %div3A_70 = arith.divf %mul3A_67, %div3A_69 : vector<16xf32>
      %convert_element_type3A = arith.fptosi %div3A_64 : vector<16xf32> to vector<16xi32>
      %convert_element_type3A_71 = arith.fptosi %div3A_70 : vector<16xf32> to vector<16xi32>
      %ge3A = arith.constant 0.000000e+00 : f32
      %ge3A_72 = vector.broadcast %ge3A : f32 to vector<16xf32>
      %ge3A_73 = arith.cmpf oge, %get3A_54, %ge3A_72 : vector<16xf32>
      %ge3A_74 = arith.constant 0.000000e+00 : f32
      %ge3A_75 = vector.broadcast %ge3A_74 : f32 to vector<16xf32>
      %ge3A_76 = arith.cmpf oge, %get3A_58, %ge3A_75 : vector<16xf32>
      %and3A_77 = arith.andi %ge3A_73, %ge3A_76 : vector<16xi1>
      %lt3A_78 = arith.constant 52 : i32
      %lt3A_79 = vector.broadcast %lt3A_78 : i32 to vector<16xi32>
      %lt3A_80 = arith.cmpi slt, %convert_element_type3A, %lt3A_79 : vector<16xi32>
      %and3A_81 = arith.andi %and3A_77, %lt3A_80 : vector<16xi1>
      %lt3A_82 = arith.constant 52 : i32
      %lt3A_83 = vector.broadcast %lt3A_82 : i32 to vector<16xi32>
      %lt3A_84 = arith.cmpi slt, %convert_element_type3A_71, %lt3A_83 : vector<16xi32>
      %and3A_85 = arith.andi %and3A_81, %lt3A_84 : vector<16xi1>
      %mul3A_86 = arith.constant 52 : i32
      %mul3A_87 = vector.broadcast %mul3A_86 : i32 to vector<16xi32>
      %mul3A_88 = arith.muli %convert_element_type3A_71, %mul3A_87 : vector<16xi32>
      %add3A_89 = arith.addi %mul3A_88, %convert_element_type3A : vector<16xi32>
      tpu.vector_store_idx %arg6[%add3A_89], %broadcast_in_dim3A_44 masked %and3A_85 : memref<2704xf32, #tpu.memory_space<vmem>>[vector<16xi32>], vector<16xf32>, vector<16xi1>
    }
    %scan3A_50 = arith.constant 256 : i32
    "tpu.region"() ({
      %run_scoped3A = tpu.sem_alloc : memref<!tpu.dma_semaphore, #tpu.memory_space<semaphore_mem>>
      %dma_start3A = arith.constant 0 : i32
      %dma_start3A_51 = tpu.memref_slice %arg3[%add3A, %dma_start3A] : memref<32x2704xf32, #tpu.memory_space<hbm>> -> memref<1x2704xf32, #tpu.memory_space<hbm>>
      %dma_start3A_52 = tpu.memref_squeeze %dma_start3A_51 : memref<1x2704xf32, #tpu.memory_space<hbm>> -> memref<2704xf32, #tpu.memory_space<hbm>>
      %dma_start3A_53 = arith.constant 0 : i32
      %dma_start3A_54 = tpu.memref_slice %arg3[%add3A, %dma_start3A_53] : memref<32x2704xf32, #tpu.memory_space<hbm>> -> memref<1x2704xf32, #tpu.memory_space<hbm>>
      %dma_start3A_55 = tpu.memref_squeeze %dma_start3A_54 : memref<1x2704xf32, #tpu.memory_space<hbm>> -> memref<2704xf32, #tpu.memory_space<hbm>>
      tpu.enqueue_dma source(%arg6 : memref<2704xf32, #tpu.memory_space<vmem>>) target(%dma_start3A_55 : memref<2704xf32, #tpu.memory_space<hbm>>) target_semaphore(%run_scoped3A : memref<!tpu.dma_semaphore, #tpu.memory_space<semaphore_mem>>)
      %dma_wait3A = arith.constant 0 : i32
      %dma_wait3A_56 = tpu.memref_slice %arg3[%add3A, %dma_wait3A] : memref<32x2704xf32, #tpu.memory_space<hbm>> -> memref<1x2704xf32, #tpu.memory_space<hbm>>
      %dma_wait3A_57 = tpu.memref_squeeze %dma_wait3A_56 : memref<1x2704xf32, #tpu.memory_space<hbm>> -> memref<2704xf32, #tpu.memory_space<hbm>>
      %dma_wait3A_58 = arith.constant 0 : i32
      %dma_wait3A_59 = tpu.memref_slice %arg3[%add3A, %dma_wait3A_58] : memref<32x2704xf32, #tpu.memory_space<hbm>> -> memref<1x2704xf32, #tpu.memory_space<hbm>>
      %dma_wait3A_60 = tpu.memref_squeeze %dma_wait3A_59 : memref<1x2704xf32, #tpu.memory_space<hbm>> -> memref<2704xf32, #tpu.memory_space<hbm>>
      tpu.wait_dma2 semaphore(%run_scoped3A : memref<!tpu.dma_semaphore, #tpu.memory_space<semaphore_mem>>) src(%arg6 : memref<2704xf32, #tpu.memory_space<vmem>>) dst(%dma_wait3A_60 : memref<2704xf32, #tpu.memory_space<hbm>>)
      tpu.yield
    }) : () -> ()
    return
  }
}

module attributes {stable_mosaic.version = 14 : i64} {
  func.func @_fused_body(%arg0: i32, %arg1: memref<1x256x2704xf32, #tpu.memory_space<vmem>>, %arg2: memref<4x1024xf32, #tpu.memory_space<vmem>>, %arg3: memref<8x2704xf32, #tpu.memory_space<vmem>>, %arg4: memref<256x256xf32, #tpu.memory_space<vmem>>, %arg5: memref<256x1024xf32, #tpu.memory_space<vmem>>, %arg6: memref<256x512xf32, #tpu.memory_space<vmem>>, %arg7: memref<2x256xf32, #tpu.memory_space<vmem>>, %arg8: memref<1x2xf32, #tpu.memory_space<vmem>>, %arg9: memref<256x7xf32, #tpu.memory_space<vmem>>, %arg10: memref<9x256x256xf32, #tpu.memory_space<vmem>>, %arg11: memref<256x256xf32, #tpu.memory_space<vmem>>, %arg12: memref<1x256x2704xf32, #tpu.memory_space<vmem>>, %arg13: memref<4x256x2704xf32, #tpu.memory_space<vmem>>, %arg14: memref<256x2xf32, #tpu.memory_space<vmem>>, %arg15: memref<4x256x2704xf32, #tpu.memory_space<vmem>>) attributes {dimension_semantics = [#tpu.dimension_semantics<arbitrary>], iteration_bounds = array<i64: 8>, scalar_prefetch = 0 : i64, scratch_operands = 3 : i64, tpu.core_type = #tpu.core_type<tc>, window_params = [{transform_indices = @transform_0, window_bounds = array<i64: 1, 256, 2704>}, {pipeline_mode = #tpu.pipeline_mode<synchronous>, transform_indices = @transform_1, window_bounds = array<i64: 4, 1024>}, {transform_indices = @transform_2, window_bounds = array<i64: 8, 2704>}, {pipeline_mode = #tpu.pipeline_mode<synchronous>, transform_indices = @transform_3, window_bounds = array<i64: 256, 256>}, {pipeline_mode = #tpu.pipeline_mode<synchronous>, transform_indices = @transform_4, window_bounds = array<i64: 256, 1024>}, {pipeline_mode = #tpu.pipeline_mode<synchronous>, transform_indices = @transform_5, window_bounds = array<i64: 256, 512>}, {pipeline_mode = #tpu.pipeline_mode<synchronous>, transform_indices = @transform_6, window_bounds = array<i64: 2, 256>}, {pipeline_mode = #tpu.pipeline_mode<synchronous>, transform_indices = @transform_7, window_bounds = array<i64: 1, 2>}, {pipeline_mode = #tpu.pipeline_mode<synchronous>, transform_indices = @transform_8, window_bounds = array<i64: 256, 7>}, {pipeline_mode = #tpu.pipeline_mode<synchronous>, transform_indices = @transform_9, window_bounds = array<i64: 9, 256, 256>}, {pipeline_mode = #tpu.pipeline_mode<synchronous>, transform_indices = @transform_10, window_bounds = array<i64: 256, 256>}, {transform_indices = @transform_11, window_bounds = array<i64: 1, 256, 2704>}]} {
    %jit3A = arith.constant 4 : i32
    %eq3A = arith.constant 0 : i32
    %eq3A_0 = arith.cmpi eq, %jit3A, %eq3A : i32
    %jit3A_1 = arith.constant 1 : i32
    %select_n3A = arith.select %eq3A_0, %jit3A_1, %jit3A : i32
    %rem3A = arith.remsi %arg0, %select_n3A : i32
    %ne3A = arith.constant 0 : i32
    %ne3A_2 = arith.cmpi ne, %rem3A, %ne3A : i32
    %lt3A = arith.constant 0 : i32
    %lt3A_3 = arith.cmpi slt, %rem3A, %lt3A : i32
    %lt3A_4 = arith.constant 0 : i32
    %lt3A_5 = arith.cmpi slt, %select_n3A, %lt3A_4 : i32
    %ne3A_6 = arith.xori %lt3A_3, %lt3A_5 : i1
    %and3A = arith.andi %ne3A_6, %ne3A_2 : i1
    %add3A = arith.addi %rem3A, %select_n3A : i32
    %select_n3A_7 = arith.select %and3A, %add3A, %rem3A : i32
    %lt3A_8 = arith.constant 4 : i32
    %lt3A_9 = arith.cmpi slt, %arg0, %lt3A_8 : i32
    %convert_element_type3A = arith.extui %lt3A_9 : i1 to i32
    %cond3A = arith.constant 0 : i32
    %cond3A_10 = arith.cmpi ne, %convert_element_type3A, %cond3A : i32
    scf.if %cond3A_10 {
      %get3A = arith.constant 0 : index
      %get3A_15 = arith.constant 0 : index
      %get3A_16 = arith.constant 0 : index
      %get3A_17 = vector.load %arg1[%get3A, %get3A_15, %get3A_16] : memref<1x256x2704xf32, #tpu.memory_space<vmem>>, vector<1x256x2704xf32>
      %get3A_18 = vector.shape_cast %get3A_17 : vector<1x256x2704xf32> to vector<256x2704xf32>
      %swap3A = arith.index_cast %select_n3A_7 : i32 to index
      %swap3A_19 = arith.constant 0 : index
      %swap3A_20 = arith.constant 0 : index
      %swap3A_21 = vector.load %arg15[%swap3A, %swap3A_19, %swap3A_20] : memref<4x256x2704xf32, #tpu.memory_space<vmem>>, vector<1x256x2704xf32>
      %swap3A_22 = vector.shape_cast %swap3A_21 : vector<1x256x2704xf32> to vector<256x2704xf32>
      %swap3A_23 = vector.shape_cast %get3A_18 : vector<256x2704xf32> to vector<1x256x2704xf32>
      tpu.vector_store %arg15[%swap3A, %swap3A_19, %swap3A_20], %swap3A_23 {strides = array<i32>} : memref<4x256x2704xf32, #tpu.memory_space<vmem>>, vector<1x256x2704xf32>,
      %convert_element_type3A_24 = arith.truncf %get3A_18 : vector<256x2704xf32> to vector<256x2704xbf16>
      %get3A_25 = arith.constant 0 : index
      %get3A_26 = arith.constant 0 : index
      %get3A_27 = vector.load %arg9[%get3A_25, %get3A_26] : memref<256x7xf32, #tpu.memory_space<vmem>>, vector<256x1xf32>
      %get3A_28 = arith.constant 0 : index
      %get3A_29 = arith.constant 1 : index
      %get3A_30 = vector.load %arg9[%get3A_28, %get3A_29] : memref<256x7xf32, #tpu.memory_space<vmem>>, vector<256x1xf32>
      %get3A_31 = arith.constant 0 : index
      %get3A_32 = arith.constant 2 : index
      %get3A_33 = vector.load %arg9[%get3A_31, %get3A_32] : memref<256x7xf32, #tpu.memory_space<vmem>>, vector<256x1xf32>
      %get3A_34 = arith.constant 0 : index
      %get3A_35 = arith.constant 3 : index
      %get3A_36 = vector.load %arg9[%get3A_34, %get3A_35] : memref<256x7xf32, #tpu.memory_space<vmem>>, vector<256x1xf32>
      %get3A_37 = arith.constant 0 : index
      %get3A_38 = arith.constant 0 : index
      %get3A_39 = vector.load %arg4[%get3A_37, %get3A_38] : memref<256x256xf32, #tpu.memory_space<vmem>>, vector<256x256xf32>
      %convert_element_type3A_40 = arith.truncf %get3A_39 : vector<256x256xf32> to vector<256x256xbf16>
      %dot_general3A = arith.constant dense<0.000000e+00> : vector<256x2704xf32>
      %dot_general3A_41 = tpu.matmul %convert_element_type3A_40, %convert_element_type3A_24, %dot_general3A {dimension_numbers = #tpu.dot_dimension_numbers<[1], [0], [0], [1], [0, 0, 1, 1], [], []>, transpose_lhs_hint = false} : vector<256x256xbf16>, vector<256x2704xbf16>, vector<256x2704xf32> -> vector<256x2704xf32>
      %add3A_42 = vector.broadcast %get3A_27 : vector<256x1xf32> to vector<256x2704xf32>
      %add3A_43 = arith.addf %dot_general3A_41, %add3A_42 : vector<256x2704xf32>
      %get3A_44 = arith.constant 0 : index
      %get3A_45 = arith.constant 0 : index
      %get3A_46 = vector.load %arg5[%get3A_44, %get3A_45] : memref<256x1024xf32, #tpu.memory_space<vmem>>, vector<256x1024xf32>
      %get3A_47 = arith.constant 0 : index
      %get3A_48 = arith.constant 0 : index
      %get3A_49 = vector.load %arg2[%get3A_47, %get3A_48] : memref<4x1024xf32, #tpu.memory_space<vmem>>, vector<4x1024xf32>
      %dot_general3A_50 = arith.constant dense<0.000000e+00> : vector<256x4xf32>
      %dot_general3A_51 = tpu.matmul %get3A_46, %get3A_49, %dot_general3A_50 {dimension_numbers = #tpu.dot_dimension_numbers<[1], [1], [0], [0], [0, 0, 1, 0], [], []>, transpose_lhs_hint = false} : vector<256x1024xf32>, vector<4x1024xf32>, vector<256x4xf32> -> vector<256x4xf32>
      %iota3A = tpu.iota {dimensions = array<i32: 1>} : vector<1x4xi32>
      %eq3A_52 = vector.broadcast %select_n3A_7 : i32 to vector<1x4xi32>
      %eq3A_53 = arith.cmpi eq, %iota3A, %eq3A_52 : vector<1x4xi32>
      %convert_element_type3A_54 = arith.extui %eq3A_53 : vector<1x4xi1> to vector<1x4xi32>
      %convert_element_type3A_55 = arith.sitofp %convert_element_type3A_54 : vector<1x4xi32> to vector<1x4xf32>
      %mul3A = vector.broadcast %convert_element_type3A_55 : vector<1x4xf32> to vector<256x4xf32>
      %mul3A_56 = arith.mulf %dot_general3A_51, %mul3A : vector<256x4xf32>
      %reduce_sum3A = arith.constant dense<0.000000e+00> : vector<256xf32>
      %reduce_sum3A_57 = vector.multi_reduction <add>, %mul3A_56, %reduce_sum3A [1] : vector<256x4xf32> to vector<256xf32>
      %broadcast_in_dim3A = vector.shape_cast %reduce_sum3A_57 : vector<256xf32> to vector<256x1xf32>
      %get3A_58 = arith.constant 0 : index
      %get3A_59 = arith.constant 0 : index
      %get3A_60 = vector.load %arg3[%get3A_58, %get3A_59] : memref<8x2704xf32, #tpu.memory_space<vmem>>, vector<8x2704xf32>
      %reduce_sum3A_61 = arith.constant dense<0.000000e+00> : vector<2704xf32>
      %reduce_sum3A_62 = vector.multi_reduction <add>, %get3A_60, %reduce_sum3A_61 [0] : vector<8x2704xf32> to vector<2704xf32>
      %broadcast_in_dim3A_63 = vector.shape_cast %reduce_sum3A_62 : vector<2704xf32> to vector<1x2704xf32>
      %gt3A = arith.constant 0.000000e+00 : f32
      %gt3A_64 = vector.broadcast %gt3A : f32 to vector<1x2704xf32>
      %gt3A_65 = arith.cmpf ogt, %broadcast_in_dim3A_63, %gt3A_64 : vector<1x2704xf32>
      %convert_element_type3A_66 = arith.extui %gt3A_65 : vector<1x2704xi1> to vector<1x2704xi32>
      %convert_element_type3A_67 = arith.sitofp %convert_element_type3A_66 : vector<1x2704xi32> to vector<1x2704xf32>
      %mul3A_68 = vector.broadcast %broadcast_in_dim3A : vector<256x1xf32> to vector<256x2704xf32>
      %mul3A_69 = vector.broadcast %convert_element_type3A_67 : vector<1x2704xf32> to vector<256x2704xf32>
      %mul3A_70 = arith.mulf %mul3A_68, %mul3A_69 : vector<256x2704xf32>
      %add3A_71 = vector.broadcast %get3A_30 : vector<256x1xf32> to vector<256x2704xf32>
      %add3A_72 = arith.addf %mul3A_70, %add3A_71 : vector<256x2704xf32>
      %convert_element_type3A_73 = arith.truncf %add3A_43 : vector<256x2704xf32> to vector<256x2704xbf16>
      %convert_element_type3A_74 = arith.truncf %add3A_72 : vector<256x2704xf32> to vector<256x2704xbf16>
      %get3A_75 = arith.constant 0 : index
      %get3A_76 = arith.constant 0 : index
      %get3A_77 = vector.load %arg6[%get3A_75, %get3A_76] : memref<256x512xf32, #tpu.memory_space<vmem>>, vector<256x512xf32>
      %convert_element_type3A_78 = arith.truncf %get3A_77 : vector<256x512xf32> to vector<256x512xbf16>
      %slice3A = vector.extract_strided_slice %convert_element_type3A_78 {offsets = [0, 0], sizes = [256, 256], strides = [1, 1]} : vector<256x512xbf16> to vector<256x256xbf16>
      %dot_general3A_79 = arith.constant dense<0.000000e+00> : vector<256x2704xf32>
      %dot_general3A_80 = tpu.matmul %slice3A, %convert_element_type3A_73, %dot_general3A_79 {dimension_numbers = #tpu.dot_dimension_numbers<[1], [0], [0], [1], [0, 0, 1, 1], [], []>, transpose_lhs_hint = false} : vector<256x256xbf16>, vector<256x2704xbf16>, vector<256x2704xf32> -> vector<256x2704xf32>
      %slice3A_81 = vector.extract_strided_slice %convert_element_type3A_78 {offsets = [0, 256], sizes = [256, 256], strides = [1, 1]} : vector<256x512xbf16> to vector<256x256xbf16>
      %dot_general3A_82 = arith.constant dense<0.000000e+00> : vector<256x2704xf32>
      %dot_general3A_83 = tpu.matmul %slice3A_81, %convert_element_type3A_74, %dot_general3A_82 {dimension_numbers = #tpu.dot_dimension_numbers<[1], [0], [0], [1], [0, 0, 1, 1], [], []>, transpose_lhs_hint = false} : vector<256x256xbf16>, vector<256x2704xbf16>, vector<256x2704xf32> -> vector<256x2704xf32>
      %add3A_84 = arith.addf %dot_general3A_80, %dot_general3A_83 : vector<256x2704xf32>
      %add3A_85 = vector.broadcast %get3A_33 : vector<256x1xf32> to vector<256x2704xf32>
      %add3A_86 = arith.addf %add3A_84, %add3A_85 : vector<256x2704xf32>
      %max3A = arith.constant 0.000000e+00 : f32
      %max3A_87 = vector.broadcast %max3A : f32 to vector<256x2704xf32>
      %max3A_88 = arith.maximumf %add3A_86, %max3A_87 : vector<256x2704xf32>
      %get3A_89 = arith.constant 0 : index
      %get3A_90 = arith.constant 0 : index
      %get3A_91 = vector.load %arg7[%get3A_89, %get3A_90] : memref<2x256xf32, #tpu.memory_space<vmem>>, vector<1x256xf32>
      %get3A_92 = arith.constant 1 : index
      %get3A_93 = arith.constant 0 : index
      %get3A_94 = vector.load %arg7[%get3A_92, %get3A_93] : memref<2x256xf32, #tpu.memory_space<vmem>>, vector<1x256xf32>
      %sub3A = arith.subf %get3A_91, %get3A_94 : vector<1x256xf32>
      %convert_element_type3A_95 = arith.truncf %sub3A : vector<1x256xf32> to vector<1x256xbf16>
      %get3A_96 = arith.constant 0 : index
      %get3A_97 = arith.constant 0 : index
      %get3A_98 = vector.load %arg8[%get3A_96, %get3A_97] : memref<1x2xf32, #tpu.memory_space<vmem>>, vector<1x1xf32>
      %get3A_99 = arith.constant 0 : index
      %get3A_100 = arith.constant 1 : index
      %get3A_101 = vector.load %arg8[%get3A_99, %get3A_100] : memref<1x2xf32, #tpu.memory_space<vmem>>, vector<1x1xf32>
      %sub3A_102 = arith.subf %get3A_98, %get3A_101 : vector<1x1xf32>
      %convert_element_type3A_103 = arith.truncf %max3A_88 : vector<256x2704xf32> to vector<256x2704xbf16>
      %dot_general3A_104 = arith.constant dense<0.000000e+00> : vector<1x2704xf32>
      %dot_general3A_105 = tpu.matmul %convert_element_type3A_95, %convert_element_type3A_103, %dot_general3A_104 {dimension_numbers = #tpu.dot_dimension_numbers<[1], [0], [0], [1], [0, 0, 1, 1], [], []>, transpose_lhs_hint = false} : vector<1x256xbf16>, vector<256x2704xbf16>, vector<1x2704xf32> -> vector<1x2704xf32>
      %add3A_106 = vector.broadcast %sub3A_102 : vector<1x1xf32> to vector<1x2704xf32>
      %add3A_107 = arith.addf %dot_general3A_105, %add3A_106 : vector<1x2704xf32>
      %neg3A = arith.constant 0.000000e+00 : f32
      %neg3A_108 = vector.broadcast %neg3A : f32 to vector<1x2704xf32>
      %neg3A_109 = arith.subf %neg3A_108, %add3A_107 : vector<1x2704xf32>
      %exp3A = math.exp %neg3A_109 : vector<1x2704xf32>
      %add3A_110 = arith.constant 1.000000e+00 : f32
      %add3A_111 = vector.broadcast %add3A_110 : f32 to vector<1x2704xf32>
      %add3A_112 = arith.addf %add3A_111, %exp3A : vector<1x2704xf32>
      %div3A = arith.constant 1.000000e+00 : f32
      %div3A_113 = vector.broadcast %div3A : f32 to vector<1x2704xf32>
      %div3A_114 = arith.divf %div3A_113, %add3A_112 : vector<1x2704xf32>
      %convert_element_type3A_115 = arith.truncf %div3A_114 : vector<1x2704xf32> to vector<1x2704xbf16>
      %mul3A_116 = vector.broadcast %convert_element_type3A_115 : vector<1x2704xbf16> to vector<256x2704xbf16>
      %mul3A_117 = arith.mulf %convert_element_type3A_73, %mul3A_116 : vector<256x2704xbf16>
      %sub3A_118 = arith.constant 1.000000e+00 : bf16
      %sub3A_119 = vector.broadcast %sub3A_118 : bf16 to vector<1x2704xbf16>
      %sub3A_120 = arith.subf %sub3A_119, %convert_element_type3A_115 : vector<1x2704xbf16>
      %mul3A_121 = vector.broadcast %sub3A_120 : vector<1x2704xbf16> to vector<256x2704xbf16>
      %mul3A_122 = arith.mulf %convert_element_type3A_74, %mul3A_121 : vector<256x2704xbf16>
      %add3A_123 = arith.addf %mul3A_117, %mul3A_122 : vector<256x2704xbf16>
      %broadcast_in_dim3A_124 = arith.constant 0.000000e+00 : bf16
      %broadcast_in_dim3A_125 = vector.broadcast %broadcast_in_dim3A_124 : bf16 to vector<256x53xbf16>
      %concatenate3A = tpu.concatenate %broadcast_in_dim3A_125, %add3A_123, %broadcast_in_dim3A_125 in 1 : vector<256x53xbf16>, vector<256x2704xbf16>, vector<256x53xbf16> -> vector<256x2810xbf16>
      %iota3A_126 = tpu.iota {dimensions = array<i32: 1>} : vector<1x2704xi32>
      %jit3A_127 = arith.constant 52 : i32
      %eq3A_128 = arith.constant 0 : i32
      %eq3A_129 = arith.cmpi eq, %jit3A_127, %eq3A_128 : i32
      %jit3A_130 = arith.constant 1 : i32
      %select_n3A_131 = arith.select %eq3A_129, %jit3A_130, %jit3A_127 : i32
      %rem3A_132 = vector.broadcast %select_n3A_131 : i32 to vector<1x2704xi32>
      %rem3A_133 = arith.remsi %iota3A_126, %rem3A_132 : vector<1x2704xi32>
      %ne3A_134 = arith.constant 0 : i32
      %ne3A_135 = vector.broadcast %ne3A_134 : i32 to vector<1x2704xi32>
      %ne3A_136 = arith.cmpi ne, %rem3A_133, %ne3A_135 : vector<1x2704xi32>
      %lt3A_137 = arith.constant 0 : i32
      %lt3A_138 = vector.broadcast %lt3A_137 : i32 to vector<1x2704xi32>
      %lt3A_139 = arith.cmpi slt, %rem3A_133, %lt3A_138 : vector<1x2704xi32>
      %lt3A_140 = arith.constant 0 : i32
      %lt3A_141 = arith.cmpi slt, %select_n3A_131, %lt3A_140 : i32
      %ne3A_142 = vector.broadcast %lt3A_141 : i1 to vector<1x2704xi1>
      %ne3A_143 = vector.broadcast %ne3A_142 : vector<1x2704xi1> to vector<1x2704xi1>
      %ne3A_144 = arith.xori %lt3A_139, %ne3A_143 : vector<1x2704xi1>
      %and3A_145 = arith.andi %ne3A_144, %ne3A_136 : vector<1x2704xi1>
      %add3A_146 = vector.broadcast %select_n3A_131 : i32 to vector<1x2704xi32>
      %add3A_147 = arith.addi %rem3A_133, %add3A_146 : vector<1x2704xi32>
      %select_n3A_148 = arith.select %and3A_145, %add3A_147, %rem3A_133 : vector<1x2704xi1>, vector<1x2704xi32>
      %jit3A_149 = arith.constant 52 : i32
      %div3A_150 = vector.broadcast %jit3A_149 : i32 to vector<1x2704xi32>
      %div3A_151 = arith.divsi %iota3A_126, %div3A_150 : vector<1x2704xi32>
      %sign3A = arith.constant 0 : i32
      %sign3A_152 = vector.broadcast %sign3A : i32 to vector<1x2704xi32>
      %sign3A_153 = arith.cmpi sgt, %iota3A_126, %sign3A_152 : vector<1x2704xi32>
      %sign3A_154 = arith.extui %sign3A_153 : vector<1x2704xi1> to vector<1x2704xi32>
      %sign3A_155 = arith.constant 0 : i32
      %sign3A_156 = vector.broadcast %sign3A_155 : i32 to vector<1x2704xi32>
      %sign3A_157 = arith.cmpi slt, %iota3A_126, %sign3A_156 : vector<1x2704xi32>
      %sign3A_158 = arith.extui %sign3A_157 : vector<1x2704xi1> to vector<1x2704xi32>
      %sign3A_159 = arith.subi %sign3A_154, %sign3A_158 : vector<1x2704xi32>
      %sign3A_160 = arith.constant 0 : i32
      %sign3A_161 = arith.cmpi sgt, %jit3A_149, %sign3A_160 : i32
      %sign3A_162 = arith.extui %sign3A_161 : i1 to i32
      %sign3A_163 = arith.constant 0 : i32
      %sign3A_164 = arith.cmpi slt, %jit3A_149, %sign3A_163 : i32
      %sign3A_165 = arith.extui %sign3A_164 : i1 to i32
      %sign3A_166 = arith.subi %sign3A_162, %sign3A_165 : i32
      %ne3A_167 = vector.broadcast %sign3A_166 : i32 to vector<1x2704xi32>
      %ne3A_168 = arith.cmpi ne, %sign3A_159, %ne3A_167 : vector<1x2704xi32>
      %rem3A_169 = vector.broadcast %jit3A_149 : i32 to vector<1x2704xi32>
      %rem3A_170 = arith.remsi %iota3A_126, %rem3A_169 : vector<1x2704xi32>
      %ne3A_171 = arith.constant 0 : i32
      %ne3A_172 = vector.broadcast %ne3A_171 : i32 to vector<1x2704xi32>
      %ne3A_173 = arith.cmpi ne, %rem3A_170, %ne3A_172 : vector<1x2704xi32>
      %and3A_174 = arith.andi %ne3A_168, %ne3A_173 : vector<1x2704xi1>
      %sub3A_175 = arith.constant 1 : i32
      %sub3A_176 = vector.broadcast %sub3A_175 : i32 to vector<1x2704xi32>
      %sub3A_177 = arith.subi %div3A_151, %sub3A_176 : vector<1x2704xi32>
      %select_n3A_178 = arith.select %and3A_174, %sub3A_177, %div3A_151 : vector<1x2704xi1>, vector<1x2704xi32>
      %broadcast_in_dim3A_179 = arith.constant 0.000000e+00 : f32
      %broadcast_in_dim3A_180 = vector.broadcast %broadcast_in_dim3A_179 : f32 to vector<256x2704xf32>
      %add3A_181 = vector.broadcast %get3A_36 : vector<256x1xf32> to vector<256x2704xf32>
      %add3A_182 = arith.addf %add3A_181, %broadcast_in_dim3A_180 : vector<256x2704xf32>
      %slice3A_183 = vector.extract_strided_slice %concatenate3A {offsets = [0, 0], sizes = [256, 2704], strides = [1, 1]} : vector<256x2810xbf16> to vector<256x2704xbf16>
      %get3A_184 = arith.constant 0 : index
      %get3A_185 = arith.constant 0 : index
      %get3A_186 = arith.constant 0 : index
      %get3A_187 = vector.load %arg10[%get3A_184, %get3A_185, %get3A_186] : memref<9x256x256xf32, #tpu.memory_space<vmem>>, vector<1x256x256xf32>
      %get3A_188 = vector.shape_cast %get3A_187 : vector<1x256x256xf32> to vector<256x256xf32>
      %convert_element_type3A_189 = arith.truncf %get3A_188 : vector<256x256xf32> to vector<256x256xbf16>
      %dot_general3A_190 = arith.constant dense<0.000000e+00> : vector<256x2704xf32>
      %dot_general3A_191 = tpu.matmul %convert_element_type3A_189, %slice3A_183, %dot_general3A_190 {dimension_numbers = #tpu.dot_dimension_numbers<[1], [0], [0], [1], [0, 0, 1, 1], [], []>, transpose_lhs_hint = false} : vector<256x256xbf16>, vector<256x2704xbf16>, vector<256x2704xf32> -> vector<256x2704xf32>
      %add3A_192 = arith.constant -1 : i32
      %add3A_193 = vector.broadcast %add3A_192 : i32 to vector<1x2704xi32>
      %add3A_194 = arith.addi %select_n3A_148, %add3A_193 : vector<1x2704xi32>
      %ge3A_195 = arith.constant 0 : i32
      %ge3A_196 = vector.broadcast %ge3A_195 : i32 to vector<1x2704xi32>
      %ge3A_197 = arith.cmpi sge, %add3A_194, %ge3A_196 : vector<1x2704xi32>
      %add3A_198 = arith.constant -1 : i32
      %add3A_199 = vector.broadcast %add3A_198 : i32 to vector<1x2704xi32>
      %add3A_200 = arith.addi %select_n3A_148, %add3A_199 : vector<1x2704xi32>
      %lt3A_201 = arith.constant 52 : i32
      %lt3A_202 = vector.broadcast %lt3A_201 : i32 to vector<1x2704xi32>
      %lt3A_203 = arith.cmpi slt, %add3A_200, %lt3A_202 : vector<1x2704xi32>
      %and3A_204 = arith.andi %ge3A_197, %lt3A_203 : vector<1x2704xi1>
      %add3A_205 = arith.constant -1 : i32
      %add3A_206 = vector.broadcast %add3A_205 : i32 to vector<1x2704xi32>
      %add3A_207 = arith.addi %select_n3A_178, %add3A_206 : vector<1x2704xi32>
      %ge3A_208 = arith.constant 0 : i32
      %ge3A_209 = vector.broadcast %ge3A_208 : i32 to vector<1x2704xi32>
      %ge3A_210 = arith.cmpi sge, %add3A_207, %ge3A_209 : vector<1x2704xi32>
      %and3A_211 = arith.andi %and3A_204, %ge3A_210 : vector<1x2704xi1>
      %add3A_212 = arith.constant -1 : i32
      %add3A_213 = vector.broadcast %add3A_212 : i32 to vector<1x2704xi32>
      %add3A_214 = arith.addi %select_n3A_178, %add3A_213 : vector<1x2704xi32>
      %lt3A_215 = arith.constant 52 : i32
      %lt3A_216 = vector.broadcast %lt3A_215 : i32 to vector<1x2704xi32>
      %lt3A_217 = arith.cmpi slt, %add3A_214, %lt3A_216 : vector<1x2704xi32>
      %and3A_218 = arith.andi %and3A_211, %lt3A_217 : vector<1x2704xi1>
      %convert_element_type3A_219 = arith.extui %and3A_218 : vector<1x2704xi1> to vector<1x2704xi32>
      %convert_element_type3A_220 = arith.sitofp %convert_element_type3A_219 : vector<1x2704xi32> to vector<1x2704xf32>
      %mul3A_221 = vector.broadcast %convert_element_type3A_220 : vector<1x2704xf32> to vector<256x2704xf32>
      %mul3A_222 = arith.mulf %dot_general3A_191, %mul3A_221 : vector<256x2704xf32>
      %add3A_223 = arith.addf %add3A_182, %mul3A_222 : vector<256x2704xf32>
      %slice3A_224 = vector.extract_strided_slice %concatenate3A {offsets = [0, 1], sizes = [256, 2704], strides = [1, 1]} : vector<256x2810xbf16> to vector<256x2704xbf16>
      %get3A_225 = arith.constant 1 : index
      %get3A_226 = arith.constant 0 : index
      %get3A_227 = arith.constant 0 : index
      %get3A_228 = vector.load %arg10[%get3A_225, %get3A_226, %get3A_227] : memref<9x256x256xf32, #tpu.memory_space<vmem>>, vector<1x256x256xf32>
      %get3A_229 = vector.shape_cast %get3A_228 : vector<1x256x256xf32> to vector<256x256xf32>
      %convert_element_type3A_230 = arith.truncf %get3A_229 : vector<256x256xf32> to vector<256x256xbf16>
      %dot_general3A_231 = arith.constant dense<0.000000e+00> : vector<256x2704xf32>
      %dot_general3A_232 = tpu.matmul %convert_element_type3A_230, %slice3A_224, %dot_general3A_231 {dimension_numbers = #tpu.dot_dimension_numbers<[1], [0], [0], [1], [0, 0, 1, 1], [], []>, transpose_lhs_hint = false} : vector<256x256xbf16>, vector<256x2704xbf16>, vector<256x2704xf32> -> vector<256x2704xf32>
      %add3A_233 = arith.constant 0 : i32
      %add3A_234 = vector.broadcast %add3A_233 : i32 to vector<1x2704xi32>
      %add3A_235 = arith.addi %select_n3A_148, %add3A_234 : vector<1x2704xi32>
      %ge3A_236 = arith.constant 0 : i32
      %ge3A_237 = vector.broadcast %ge3A_236 : i32 to vector<1x2704xi32>
      %ge3A_238 = arith.cmpi sge, %add3A_235, %ge3A_237 : vector<1x2704xi32>
      %add3A_239 = arith.constant 0 : i32
      %add3A_240 = vector.broadcast %add3A_239 : i32 to vector<1x2704xi32>
      %add3A_241 = arith.addi %select_n3A_148, %add3A_240 : vector<1x2704xi32>
      %lt3A_242 = arith.constant 52 : i32
      %lt3A_243 = vector.broadcast %lt3A_242 : i32 to vector<1x2704xi32>
      %lt3A_244 = arith.cmpi slt, %add3A_241, %lt3A_243 : vector<1x2704xi32>
      %and3A_245 = arith.andi %ge3A_238, %lt3A_244 : vector<1x2704xi1>
      %add3A_246 = arith.constant -1 : i32
      %add3A_247 = vector.broadcast %add3A_246 : i32 to vector<1x2704xi32>
      %add3A_248 = arith.addi %select_n3A_178, %add3A_247 : vector<1x2704xi32>
      %ge3A_249 = arith.constant 0 : i32
      %ge3A_250 = vector.broadcast %ge3A_249 : i32 to vector<1x2704xi32>
      %ge3A_251 = arith.cmpi sge, %add3A_248, %ge3A_250 : vector<1x2704xi32>
      %and3A_252 = arith.andi %and3A_245, %ge3A_251 : vector<1x2704xi1>
      %add3A_253 = arith.constant -1 : i32
      %add3A_254 = vector.broadcast %add3A_253 : i32 to vector<1x2704xi32>
      %add3A_255 = arith.addi %select_n3A_178, %add3A_254 : vector<1x2704xi32>
      %lt3A_256 = arith.constant 52 : i32
      %lt3A_257 = vector.broadcast %lt3A_256 : i32 to vector<1x2704xi32>
      %lt3A_258 = arith.cmpi slt, %add3A_255, %lt3A_257 : vector<1x2704xi32>
      %and3A_259 = arith.andi %and3A_252, %lt3A_258 : vector<1x2704xi1>
      %convert_element_type3A_260 = arith.extui %and3A_259 : vector<1x2704xi1> to vector<1x2704xi32>
      %convert_element_type3A_261 = arith.sitofp %convert_element_type3A_260 : vector<1x2704xi32> to vector<1x2704xf32>
      %mul3A_262 = vector.broadcast %convert_element_type3A_261 : vector<1x2704xf32> to vector<256x2704xf32>
      %mul3A_263 = arith.mulf %dot_general3A_232, %mul3A_262 : vector<256x2704xf32>
      %add3A_264 = arith.addf %add3A_223, %mul3A_263 : vector<256x2704xf32>
      %slice3A_265 = vector.extract_strided_slice %concatenate3A {offsets = [0, 2], sizes = [256, 2704], strides = [1, 1]} : vector<256x2810xbf16> to vector<256x2704xbf16>
      %get3A_266 = arith.constant 2 : index
      %get3A_267 = arith.constant 0 : index
      %get3A_268 = arith.constant 0 : index
      %get3A_269 = vector.load %arg10[%get3A_266, %get3A_267, %get3A_268] : memref<9x256x256xf32, #tpu.memory_space<vmem>>, vector<1x256x256xf32>
      %get3A_270 = vector.shape_cast %get3A_269 : vector<1x256x256xf32> to vector<256x256xf32>
      %convert_element_type3A_271 = arith.truncf %get3A_270 : vector<256x256xf32> to vector<256x256xbf16>
      %dot_general3A_272 = arith.constant dense<0.000000e+00> : vector<256x2704xf32>
      %dot_general3A_273 = tpu.matmul %convert_element_type3A_271, %slice3A_265, %dot_general3A_272 {dimension_numbers = #tpu.dot_dimension_numbers<[1], [0], [0], [1], [0, 0, 1, 1], [], []>, transpose_lhs_hint = false} : vector<256x256xbf16>, vector<256x2704xbf16>, vector<256x2704xf32> -> vector<256x2704xf32>
      %add3A_274 = arith.constant 1 : i32
      %add3A_275 = vector.broadcast %add3A_274 : i32 to vector<1x2704xi32>
      %add3A_276 = arith.addi %select_n3A_148, %add3A_275 : vector<1x2704xi32>
      %ge3A_277 = arith.constant 0 : i32
      %ge3A_278 = vector.broadcast %ge3A_277 : i32 to vector<1x2704xi32>
      %ge3A_279 = arith.cmpi sge, %add3A_276, %ge3A_278 : vector<1x2704xi32>
      %add3A_280 = arith.constant 1 : i32
      %add3A_281 = vector.broadcast %add3A_280 : i32 to vector<1x2704xi32>
      %add3A_282 = arith.addi %select_n3A_148, %add3A_281 : vector<1x2704xi32>
      %lt3A_283 = arith.constant 52 : i32
      %lt3A_284 = vector.broadcast %lt3A_283 : i32 to vector<1x2704xi32>
      %lt3A_285 = arith.cmpi slt, %add3A_282, %lt3A_284 : vector<1x2704xi32>
      %and3A_286 = arith.andi %ge3A_279, %lt3A_285 : vector<1x2704xi1>
      %add3A_287 = arith.constant -1 : i32
      %add3A_288 = vector.broadcast %add3A_287 : i32 to vector<1x2704xi32>
      %add3A_289 = arith.addi %select_n3A_178, %add3A_288 : vector<1x2704xi32>
      %ge3A_290 = arith.constant 0 : i32
      %ge3A_291 = vector.broadcast %ge3A_290 : i32 to vector<1x2704xi32>
      %ge3A_292 = arith.cmpi sge, %add3A_289, %ge3A_291 : vector<1x2704xi32>
      %and3A_293 = arith.andi %and3A_286, %ge3A_292 : vector<1x2704xi1>
      %add3A_294 = arith.constant -1 : i32
      %add3A_295 = vector.broadcast %add3A_294 : i32 to vector<1x2704xi32>
      %add3A_296 = arith.addi %select_n3A_178, %add3A_295 : vector<1x2704xi32>
      %lt3A_297 = arith.constant 52 : i32
      %lt3A_298 = vector.broadcast %lt3A_297 : i32 to vector<1x2704xi32>
      %lt3A_299 = arith.cmpi slt, %add3A_296, %lt3A_298 : vector<1x2704xi32>
      %and3A_300 = arith.andi %and3A_293, %lt3A_299 : vector<1x2704xi1>
      %convert_element_type3A_301 = arith.extui %and3A_300 : vector<1x2704xi1> to vector<1x2704xi32>
      %convert_element_type3A_302 = arith.sitofp %convert_element_type3A_301 : vector<1x2704xi32> to vector<1x2704xf32>
      %mul3A_303 = vector.broadcast %convert_element_type3A_302 : vector<1x2704xf32> to vector<256x2704xf32>
      %mul3A_304 = arith.mulf %dot_general3A_273, %mul3A_303 : vector<256x2704xf32>
      %add3A_305 = arith.addf %add3A_264, %mul3A_304 : vector<256x2704xf32>
      %slice3A_306 = vector.extract_strided_slice %concatenate3A {offsets = [0, 52], sizes = [256, 2704], strides = [1, 1]} : vector<256x2810xbf16> to vector<256x2704xbf16>
      %get3A_307 = arith.constant 3 : index
      %get3A_308 = arith.constant 0 : index
      %get3A_309 = arith.constant 0 : index
      %get3A_310 = vector.load %arg10[%get3A_307, %get3A_308, %get3A_309] : memref<9x256x256xf32, #tpu.memory_space<vmem>>, vector<1x256x256xf32>
      %get3A_311 = vector.shape_cast %get3A_310 : vector<1x256x256xf32> to vector<256x256xf32>
      %convert_element_type3A_312 = arith.truncf %get3A_311 : vector<256x256xf32> to vector<256x256xbf16>
      %dot_general3A_313 = arith.constant dense<0.000000e+00> : vector<256x2704xf32>
      %dot_general3A_314 = tpu.matmul %convert_element_type3A_312, %slice3A_306, %dot_general3A_313 {dimension_numbers = #tpu.dot_dimension_numbers<[1], [0], [0], [1], [0, 0, 1, 1], [], []>, transpose_lhs_hint = false} : vector<256x256xbf16>, vector<256x2704xbf16>, vector<256x2704xf32> -> vector<256x2704xf32>
      %add3A_315 = arith.constant -1 : i32
      %add3A_316 = vector.broadcast %add3A_315 : i32 to vector<1x2704xi32>
      %add3A_317 = arith.addi %select_n3A_148, %add3A_316 : vector<1x2704xi32>
      %ge3A_318 = arith.constant 0 : i32
      %ge3A_319 = vector.broadcast %ge3A_318 : i32 to vector<1x2704xi32>
      %ge3A_320 = arith.cmpi sge, %add3A_317, %ge3A_319 : vector<1x2704xi32>
      %add3A_321 = arith.constant -1 : i32
      %add3A_322 = vector.broadcast %add3A_321 : i32 to vector<1x2704xi32>
      %add3A_323 = arith.addi %select_n3A_148, %add3A_322 : vector<1x2704xi32>
      %lt3A_324 = arith.constant 52 : i32
      %lt3A_325 = vector.broadcast %lt3A_324 : i32 to vector<1x2704xi32>
      %lt3A_326 = arith.cmpi slt, %add3A_323, %lt3A_325 : vector<1x2704xi32>
      %and3A_327 = arith.andi %ge3A_320, %lt3A_326 : vector<1x2704xi1>
      %add3A_328 = arith.constant 0 : i32
      %add3A_329 = vector.broadcast %add3A_328 : i32 to vector<1x2704xi32>
      %add3A_330 = arith.addi %select_n3A_178, %add3A_329 : vector<1x2704xi32>
      %ge3A_331 = arith.constant 0 : i32
      %ge3A_332 = vector.broadcast %ge3A_331 : i32 to vector<1x2704xi32>
      %ge3A_333 = arith.cmpi sge, %add3A_330, %ge3A_332 : vector<1x2704xi32>
      %and3A_334 = arith.andi %and3A_327, %ge3A_333 : vector<1x2704xi1>
      %add3A_335 = arith.constant 0 : i32
      %add3A_336 = vector.broadcast %add3A_335 : i32 to vector<1x2704xi32>
      %add3A_337 = arith.addi %select_n3A_178, %add3A_336 : vector<1x2704xi32>
      %lt3A_338 = arith.constant 52 : i32
      %lt3A_339 = vector.broadcast %lt3A_338 : i32 to vector<1x2704xi32>
      %lt3A_340 = arith.cmpi slt, %add3A_337, %lt3A_339 : vector<1x2704xi32>
      %and3A_341 = arith.andi %and3A_334, %lt3A_340 : vector<1x2704xi1>
      %convert_element_type3A_342 = arith.extui %and3A_341 : vector<1x2704xi1> to vector<1x2704xi32>
      %convert_element_type3A_343 = arith.sitofp %convert_element_type3A_342 : vector<1x2704xi32> to vector<1x2704xf32>
      %mul3A_344 = vector.broadcast %convert_element_type3A_343 : vector<1x2704xf32> to vector<256x2704xf32>
      %mul3A_345 = arith.mulf %dot_general3A_314, %mul3A_344 : vector<256x2704xf32>
      %add3A_346 = arith.addf %add3A_305, %mul3A_345 : vector<256x2704xf32>
      %slice3A_347 = vector.extract_strided_slice %concatenate3A {offsets = [0, 53], sizes = [256, 2704], strides = [1, 1]} : vector<256x2810xbf16> to vector<256x2704xbf16>
      %get3A_348 = arith.constant 4 : index
      %get3A_349 = arith.constant 0 : index
      %get3A_350 = arith.constant 0 : index
      %get3A_351 = vector.load %arg10[%get3A_348, %get3A_349, %get3A_350] : memref<9x256x256xf32, #tpu.memory_space<vmem>>, vector<1x256x256xf32>
      %get3A_352 = vector.shape_cast %get3A_351 : vector<1x256x256xf32> to vector<256x256xf32>
      %convert_element_type3A_353 = arith.truncf %get3A_352 : vector<256x256xf32> to vector<256x256xbf16>
      %dot_general3A_354 = arith.constant dense<0.000000e+00> : vector<256x2704xf32>
      %dot_general3A_355 = tpu.matmul %convert_element_type3A_353, %slice3A_347, %dot_general3A_354 {dimension_numbers = #tpu.dot_dimension_numbers<[1], [0], [0], [1], [0, 0, 1, 1], [], []>, transpose_lhs_hint = false} : vector<256x256xbf16>, vector<256x2704xbf16>, vector<256x2704xf32> -> vector<256x2704xf32>
      %add3A_356 = arith.constant 0 : i32
      %add3A_357 = vector.broadcast %add3A_356 : i32 to vector<1x2704xi32>
      %add3A_358 = arith.addi %select_n3A_148, %add3A_357 : vector<1x2704xi32>
      %ge3A_359 = arith.constant 0 : i32
      %ge3A_360 = vector.broadcast %ge3A_359 : i32 to vector<1x2704xi32>
      %ge3A_361 = arith.cmpi sge, %add3A_358, %ge3A_360 : vector<1x2704xi32>
      %add3A_362 = arith.constant 0 : i32
      %add3A_363 = vector.broadcast %add3A_362 : i32 to vector<1x2704xi32>
      %add3A_364 = arith.addi %select_n3A_148, %add3A_363 : vector<1x2704xi32>
      %lt3A_365 = arith.constant 52 : i32
      %lt3A_366 = vector.broadcast %lt3A_365 : i32 to vector<1x2704xi32>
      %lt3A_367 = arith.cmpi slt, %add3A_364, %lt3A_366 : vector<1x2704xi32>
      %and3A_368 = arith.andi %ge3A_361, %lt3A_367 : vector<1x2704xi1>
      %add3A_369 = arith.constant 0 : i32
      %add3A_370 = vector.broadcast %add3A_369 : i32 to vector<1x2704xi32>
      %add3A_371 = arith.addi %select_n3A_178, %add3A_370 : vector<1x2704xi32>
      %ge3A_372 = arith.constant 0 : i32
      %ge3A_373 = vector.broadcast %ge3A_372 : i32 to vector<1x2704xi32>
      %ge3A_374 = arith.cmpi sge, %add3A_371, %ge3A_373 : vector<1x2704xi32>
      %and3A_375 = arith.andi %and3A_368, %ge3A_374 : vector<1x2704xi1>
      %add3A_376 = arith.constant 0 : i32
      %add3A_377 = vector.broadcast %add3A_376 : i32 to vector<1x2704xi32>
      %add3A_378 = arith.addi %select_n3A_178, %add3A_377 : vector<1x2704xi32>
      %lt3A_379 = arith.constant 52 : i32
      %lt3A_380 = vector.broadcast %lt3A_379 : i32 to vector<1x2704xi32>
      %lt3A_381 = arith.cmpi slt, %add3A_378, %lt3A_380 : vector<1x2704xi32>
      %and3A_382 = arith.andi %and3A_375, %lt3A_381 : vector<1x2704xi1>
      %convert_element_type3A_383 = arith.extui %and3A_382 : vector<1x2704xi1> to vector<1x2704xi32>
      %convert_element_type3A_384 = arith.sitofp %convert_element_type3A_383 : vector<1x2704xi32> to vector<1x2704xf32>
      %mul3A_385 = vector.broadcast %convert_element_type3A_384 : vector<1x2704xf32> to vector<256x2704xf32>
      %mul3A_386 = arith.mulf %dot_general3A_355, %mul3A_385 : vector<256x2704xf32>
      %add3A_387 = arith.addf %add3A_346, %mul3A_386 : vector<256x2704xf32>
      %slice3A_388 = vector.extract_strided_slice %concatenate3A {offsets = [0, 54], sizes = [256, 2704], strides = [1, 1]} : vector<256x2810xbf16> to vector<256x2704xbf16>
      %get3A_389 = arith.constant 5 : index
      %get3A_390 = arith.constant 0 : index
      %get3A_391 = arith.constant 0 : index
      %get3A_392 = vector.load %arg10[%get3A_389, %get3A_390, %get3A_391] : memref<9x256x256xf32, #tpu.memory_space<vmem>>, vector<1x256x256xf32>
      %get3A_393 = vector.shape_cast %get3A_392 : vector<1x256x256xf32> to vector<256x256xf32>
      %convert_element_type3A_394 = arith.truncf %get3A_393 : vector<256x256xf32> to vector<256x256xbf16>
      %dot_general3A_395 = arith.constant dense<0.000000e+00> : vector<256x2704xf32>
      %dot_general3A_396 = tpu.matmul %convert_element_type3A_394, %slice3A_388, %dot_general3A_395 {dimension_numbers = #tpu.dot_dimension_numbers<[1], [0], [0], [1], [0, 0, 1, 1], [], []>, transpose_lhs_hint = false} : vector<256x256xbf16>, vector<256x2704xbf16>, vector<256x2704xf32> -> vector<256x2704xf32>
      %add3A_397 = arith.constant 1 : i32
      %add3A_398 = vector.broadcast %add3A_397 : i32 to vector<1x2704xi32>
      %add3A_399 = arith.addi %select_n3A_148, %add3A_398 : vector<1x2704xi32>
      %ge3A_400 = arith.constant 0 : i32
      %ge3A_401 = vector.broadcast %ge3A_400 : i32 to vector<1x2704xi32>
      %ge3A_402 = arith.cmpi sge, %add3A_399, %ge3A_401 : vector<1x2704xi32>
      %add3A_403 = arith.constant 1 : i32
      %add3A_404 = vector.broadcast %add3A_403 : i32 to vector<1x2704xi32>
      %add3A_405 = arith.addi %select_n3A_148, %add3A_404 : vector<1x2704xi32>
      %lt3A_406 = arith.constant 52 : i32
      %lt3A_407 = vector.broadcast %lt3A_406 : i32 to vector<1x2704xi32>
      %lt3A_408 = arith.cmpi slt, %add3A_405, %lt3A_407 : vector<1x2704xi32>
      %and3A_409 = arith.andi %ge3A_402, %lt3A_408 : vector<1x2704xi1>
      %add3A_410 = arith.constant 0 : i32
      %add3A_411 = vector.broadcast %add3A_410 : i32 to vector<1x2704xi32>
      %add3A_412 = arith.addi %select_n3A_178, %add3A_411 : vector<1x2704xi32>
      %ge3A_413 = arith.constant 0 : i32
      %ge3A_414 = vector.broadcast %ge3A_413 : i32 to vector<1x2704xi32>
      %ge3A_415 = arith.cmpi sge, %add3A_412, %ge3A_414 : vector<1x2704xi32>
      %and3A_416 = arith.andi %and3A_409, %ge3A_415 : vector<1x2704xi1>
      %add3A_417 = arith.constant 0 : i32
      %add3A_418 = vector.broadcast %add3A_417 : i32 to vector<1x2704xi32>
      %add3A_419 = arith.addi %select_n3A_178, %add3A_418 : vector<1x2704xi32>
      %lt3A_420 = arith.constant 52 : i32
      %lt3A_421 = vector.broadcast %lt3A_420 : i32 to vector<1x2704xi32>
      %lt3A_422 = arith.cmpi slt, %add3A_419, %lt3A_421 : vector<1x2704xi32>
      %and3A_423 = arith.andi %and3A_416, %lt3A_422 : vector<1x2704xi1>
      %convert_element_type3A_424 = arith.extui %and3A_423 : vector<1x2704xi1> to vector<1x2704xi32>
      %convert_element_type3A_425 = arith.sitofp %convert_element_type3A_424 : vector<1x2704xi32> to vector<1x2704xf32>
      %mul3A_426 = vector.broadcast %convert_element_type3A_425 : vector<1x2704xf32> to vector<256x2704xf32>
      %mul3A_427 = arith.mulf %dot_general3A_396, %mul3A_426 : vector<256x2704xf32>
      %add3A_428 = arith.addf %add3A_387, %mul3A_427 : vector<256x2704xf32>
      %slice3A_429 = vector.extract_strided_slice %concatenate3A {offsets = [0, 104], sizes = [256, 2704], strides = [1, 1]} : vector<256x2810xbf16> to vector<256x2704xbf16>
      %get3A_430 = arith.constant 6 : index
      %get3A_431 = arith.constant 0 : index
      %get3A_432 = arith.constant 0 : index
      %get3A_433 = vector.load %arg10[%get3A_430, %get3A_431, %get3A_432] : memref<9x256x256xf32, #tpu.memory_space<vmem>>, vector<1x256x256xf32>
      %get3A_434 = vector.shape_cast %get3A_433 : vector<1x256x256xf32> to vector<256x256xf32>
      %convert_element_type3A_435 = arith.truncf %get3A_434 : vector<256x256xf32> to vector<256x256xbf16>
      %dot_general3A_436 = arith.constant dense<0.000000e+00> : vector<256x2704xf32>
      %dot_general3A_437 = tpu.matmul %convert_element_type3A_435, %slice3A_429, %dot_general3A_436 {dimension_numbers = #tpu.dot_dimension_numbers<[1], [0], [0], [1], [0, 0, 1, 1], [], []>, transpose_lhs_hint = false} : vector<256x256xbf16>, vector<256x2704xbf16>, vector<256x2704xf32> -> vector<256x2704xf32>
      %add3A_438 = arith.constant -1 : i32
      %add3A_439 = vector.broadcast %add3A_438 : i32 to vector<1x2704xi32>
      %add3A_440 = arith.addi %select_n3A_148, %add3A_439 : vector<1x2704xi32>
      %ge3A_441 = arith.constant 0 : i32
      %ge3A_442 = vector.broadcast %ge3A_441 : i32 to vector<1x2704xi32>
      %ge3A_443 = arith.cmpi sge, %add3A_440, %ge3A_442 : vector<1x2704xi32>
      %add3A_444 = arith.constant -1 : i32
      %add3A_445 = vector.broadcast %add3A_444 : i32 to vector<1x2704xi32>
      %add3A_446 = arith.addi %select_n3A_148, %add3A_445 : vector<1x2704xi32>
      %lt3A_447 = arith.constant 52 : i32
      %lt3A_448 = vector.broadcast %lt3A_447 : i32 to vector<1x2704xi32>
      %lt3A_449 = arith.cmpi slt, %add3A_446, %lt3A_448 : vector<1x2704xi32>
      %and3A_450 = arith.andi %ge3A_443, %lt3A_449 : vector<1x2704xi1>
      %add3A_451 = arith.constant 1 : i32
      %add3A_452 = vector.broadcast %add3A_451 : i32 to vector<1x2704xi32>
      %add3A_453 = arith.addi %select_n3A_178, %add3A_452 : vector<1x2704xi32>
      %ge3A_454 = arith.constant 0 : i32
      %ge3A_455 = vector.broadcast %ge3A_454 : i32 to vector<1x2704xi32>
      %ge3A_456 = arith.cmpi sge, %add3A_453, %ge3A_455 : vector<1x2704xi32>
      %and3A_457 = arith.andi %and3A_450, %ge3A_456 : vector<1x2704xi1>
      %add3A_458 = arith.constant 1 : i32
      %add3A_459 = vector.broadcast %add3A_458 : i32 to vector<1x2704xi32>
      %add3A_460 = arith.addi %select_n3A_178, %add3A_459 : vector<1x2704xi32>
      %lt3A_461 = arith.constant 52 : i32
      %lt3A_462 = vector.broadcast %lt3A_461 : i32 to vector<1x2704xi32>
      %lt3A_463 = arith.cmpi slt, %add3A_460, %lt3A_462 : vector<1x2704xi32>
      %and3A_464 = arith.andi %and3A_457, %lt3A_463 : vector<1x2704xi1>
      %convert_element_type3A_465 = arith.extui %and3A_464 : vector<1x2704xi1> to vector<1x2704xi32>
      %convert_element_type3A_466 = arith.sitofp %convert_element_type3A_465 : vector<1x2704xi32> to vector<1x2704xf32>
      %mul3A_467 = vector.broadcast %convert_element_type3A_466 : vector<1x2704xf32> to vector<256x2704xf32>
      %mul3A_468 = arith.mulf %dot_general3A_437, %mul3A_467 : vector<256x2704xf32>
      %add3A_469 = arith.addf %add3A_428, %mul3A_468 : vector<256x2704xf32>
      %slice3A_470 = vector.extract_strided_slice %concatenate3A {offsets = [0, 105], sizes = [256, 2704], strides = [1, 1]} : vector<256x2810xbf16> to vector<256x2704xbf16>
      %get3A_471 = arith.constant 7 : index
      %get3A_472 = arith.constant 0 : index
      %get3A_473 = arith.constant 0 : index
      %get3A_474 = vector.load %arg10[%get3A_471, %get3A_472, %get3A_473] : memref<9x256x256xf32, #tpu.memory_space<vmem>>, vector<1x256x256xf32>
      %get3A_475 = vector.shape_cast %get3A_474 : vector<1x256x256xf32> to vector<256x256xf32>
      %convert_element_type3A_476 = arith.truncf %get3A_475 : vector<256x256xf32> to vector<256x256xbf16>
      %dot_general3A_477 = arith.constant dense<0.000000e+00> : vector<256x2704xf32>
      %dot_general3A_478 = tpu.matmul %convert_element_type3A_476, %slice3A_470, %dot_general3A_477 {dimension_numbers = #tpu.dot_dimension_numbers<[1], [0], [0], [1], [0, 0, 1, 1], [], []>, transpose_lhs_hint = false} : vector<256x256xbf16>, vector<256x2704xbf16>, vector<256x2704xf32> -> vector<256x2704xf32>
      %add3A_479 = arith.constant 0 : i32
      %add3A_480 = vector.broadcast %add3A_479 : i32 to vector<1x2704xi32>
      %add3A_481 = arith.addi %select_n3A_148, %add3A_480 : vector<1x2704xi32>
      %ge3A_482 = arith.constant 0 : i32
      %ge3A_483 = vector.broadcast %ge3A_482 : i32 to vector<1x2704xi32>
      %ge3A_484 = arith.cmpi sge, %add3A_481, %ge3A_483 : vector<1x2704xi32>
      %add3A_485 = arith.constant 0 : i32
      %add3A_486 = vector.broadcast %add3A_485 : i32 to vector<1x2704xi32>
      %add3A_487 = arith.addi %select_n3A_148, %add3A_486 : vector<1x2704xi32>
      %lt3A_488 = arith.constant 52 : i32
      %lt3A_489 = vector.broadcast %lt3A_488 : i32 to vector<1x2704xi32>
      %lt3A_490 = arith.cmpi slt, %add3A_487, %lt3A_489 : vector<1x2704xi32>
      %and3A_491 = arith.andi %ge3A_484, %lt3A_490 : vector<1x2704xi1>
      %add3A_492 = arith.constant 1 : i32
      %add3A_493 = vector.broadcast %add3A_492 : i32 to vector<1x2704xi32>
      %add3A_494 = arith.addi %select_n3A_178, %add3A_493 : vector<1x2704xi32>
      %ge3A_495 = arith.constant 0 : i32
      %ge3A_496 = vector.broadcast %ge3A_495 : i32 to vector<1x2704xi32>
      %ge3A_497 = arith.cmpi sge, %add3A_494, %ge3A_496 : vector<1x2704xi32>
      %and3A_498 = arith.andi %and3A_491, %ge3A_497 : vector<1x2704xi1>
      %add3A_499 = arith.constant 1 : i32
      %add3A_500 = vector.broadcast %add3A_499 : i32 to vector<1x2704xi32>
      %add3A_501 = arith.addi %select_n3A_178, %add3A_500 : vector<1x2704xi32>
      %lt3A_502 = arith.constant 52 : i32
      %lt3A_503 = vector.broadcast %lt3A_502 : i32 to vector<1x2704xi32>
      %lt3A_504 = arith.cmpi slt, %add3A_501, %lt3A_503 : vector<1x2704xi32>
      %and3A_505 = arith.andi %and3A_498, %lt3A_504 : vector<1x2704xi1>
      %convert_element_type3A_506 = arith.extui %and3A_505 : vector<1x2704xi1> to vector<1x2704xi32>
      %convert_element_type3A_507 = arith.sitofp %convert_element_type3A_506 : vector<1x2704xi32> to vector<1x2704xf32>
      %mul3A_508 = vector.broadcast %convert_element_type3A_507 : vector<1x2704xf32> to vector<256x2704xf32>
      %mul3A_509 = arith.mulf %dot_general3A_478, %mul3A_508 : vector<256x2704xf32>
      %add3A_510 = arith.addf %add3A_469, %mul3A_509 : vector<256x2704xf32>
      %slice3A_511 = vector.extract_strided_slice %concatenate3A {offsets = [0, 106], sizes = [256, 2704], strides = [1, 1]} : vector<256x2810xbf16> to vector<256x2704xbf16>
      %get3A_512 = arith.constant 8 : index
      %get3A_513 = arith.constant 0 : index
      %get3A_514 = arith.constant 0 : index
      %get3A_515 = vector.load %arg10[%get3A_512, %get3A_513, %get3A_514] : memref<9x256x256xf32, #tpu.memory_space<vmem>>, vector<1x256x256xf32>
      %get3A_516 = vector.shape_cast %get3A_515 : vector<1x256x256xf32> to vector<256x256xf32>
      %convert_element_type3A_517 = arith.truncf %get3A_516 : vector<256x256xf32> to vector<256x256xbf16>
      %dot_general3A_518 = arith.constant dense<0.000000e+00> : vector<256x2704xf32>
      %dot_general3A_519 = tpu.matmul %convert_element_type3A_517, %slice3A_511, %dot_general3A_518 {dimension_numbers = #tpu.dot_dimension_numbers<[1], [0], [0], [1], [0, 0, 1, 1], [], []>, transpose_lhs_hint = false} : vector<256x256xbf16>, vector<256x2704xbf16>, vector<256x2704xf32> -> vector<256x2704xf32>
      %add3A_520 = arith.constant 1 : i32
      %add3A_521 = vector.broadcast %add3A_520 : i32 to vector<1x2704xi32>
      %add3A_522 = arith.addi %select_n3A_148, %add3A_521 : vector<1x2704xi32>
      %ge3A_523 = arith.constant 0 : i32
      %ge3A_524 = vector.broadcast %ge3A_523 : i32 to vector<1x2704xi32>
      %ge3A_525 = arith.cmpi sge, %add3A_522, %ge3A_524 : vector<1x2704xi32>
      %add3A_526 = arith.constant 1 : i32
      %add3A_527 = vector.broadcast %add3A_526 : i32 to vector<1x2704xi32>
      %add3A_528 = arith.addi %select_n3A_148, %add3A_527 : vector<1x2704xi32>
      %lt3A_529 = arith.constant 52 : i32
      %lt3A_530 = vector.broadcast %lt3A_529 : i32 to vector<1x2704xi32>
      %lt3A_531 = arith.cmpi slt, %add3A_528, %lt3A_530 : vector<1x2704xi32>
      %and3A_532 = arith.andi %ge3A_525, %lt3A_531 : vector<1x2704xi1>
      %add3A_533 = arith.constant 1 : i32
      %add3A_534 = vector.broadcast %add3A_533 : i32 to vector<1x2704xi32>
      %add3A_535 = arith.addi %select_n3A_178, %add3A_534 : vector<1x2704xi32>
      %ge3A_536 = arith.constant 0 : i32
      %ge3A_537 = vector.broadcast %ge3A_536 : i32 to vector<1x2704xi32>
      %ge3A_538 = arith.cmpi sge, %add3A_535, %ge3A_537 : vector<1x2704xi32>
      %and3A_539 = arith.andi %and3A_532, %ge3A_538 : vector<1x2704xi1>
      %add3A_540 = arith.constant 1 : i32
      %add3A_541 = vector.broadcast %add3A_540 : i32 to vector<1x2704xi32>
      %add3A_542 = arith.addi %select_n3A_178, %add3A_541 : vector<1x2704xi32>
      %lt3A_543 = arith.constant 52 : i32
      %lt3A_544 = vector.broadcast %lt3A_543 : i32 to vector<1x2704xi32>
      %lt3A_545 = arith.cmpi slt, %add3A_542, %lt3A_544 : vector<1x2704xi32>
      %and3A_546 = arith.andi %and3A_539, %lt3A_545 : vector<1x2704xi1>
      %convert_element_type3A_547 = arith.extui %and3A_546 : vector<1x2704xi1> to vector<1x2704xi32>
      %convert_element_type3A_548 = arith.sitofp %convert_element_type3A_547 : vector<1x2704xi32> to vector<1x2704xf32>
      %mul3A_549 = vector.broadcast %convert_element_type3A_548 : vector<1x2704xf32> to vector<256x2704xf32>
      %mul3A_550 = arith.mulf %dot_general3A_519, %mul3A_549 : vector<256x2704xf32>
      %add3A_551 = arith.addf %add3A_510, %mul3A_550 : vector<256x2704xf32>
      %swap3A_552 = arith.index_cast %select_n3A_7 : i32 to index
      %swap3A_553 = arith.constant 0 : index
      %swap3A_554 = arith.constant 0 : index
      %swap3A_555 = vector.load %arg13[%swap3A_552, %swap3A_553, %swap3A_554] : memref<4x256x2704xf32, #tpu.memory_space<vmem>>, vector<1x256x2704xf32>
      %swap3A_556 = vector.shape_cast %swap3A_555 : vector<1x256x2704xf32> to vector<256x2704xf32>
      %swap3A_557 = vector.shape_cast %add3A_551 : vector<256x2704xf32> to vector<1x256x2704xf32>
      tpu.vector_store %arg13[%swap3A_552, %swap3A_553, %swap3A_554], %swap3A_557 {strides = array<i32>} : memref<4x256x2704xf32, #tpu.memory_space<vmem>>, vector<1x256x2704xf32>,
      %reduce_sum3A_558 = arith.constant dense<0.000000e+00> : vector<256xf32>
      %reduce_sum3A_559 = vector.multi_reduction <add>, %add3A_551, %reduce_sum3A_558 [1] : vector<256x2704xf32> to vector<256xf32>
      %broadcast_in_dim3A_560 = vector.shape_cast %reduce_sum3A_559 : vector<256xf32> to vector<256x1xf32>
      %mul3A_561 = arith.mulf %add3A_551, %add3A_551 : vector<256x2704xf32>
      %reduce_sum3A_562 = arith.constant dense<0.000000e+00> : vector<256xf32>
      %reduce_sum3A_563 = vector.multi_reduction <add>, %mul3A_561, %reduce_sum3A_562 [1] : vector<256x2704xf32> to vector<256xf32>
      %broadcast_in_dim3A_564 = vector.shape_cast %reduce_sum3A_563 : vector<256xf32> to vector<256x1xf32>
      %concatenate3A_565 = tpu.concatenate %broadcast_in_dim3A_560, %broadcast_in_dim3A_564 in 1 : vector<256x1xf32>, vector<256x1xf32> -> vector<256x2xf32>
      %eq3A_566 = arith.constant 0 : i32
      %eq3A_567 = arith.cmpi eq, %select_n3A_7, %eq3A_566 : i32
      %convert_element_type3A_568 = arith.extui %eq3A_567 : i1 to i32
      %cond3A_569 = arith.constant 0 : i32
      %cond3A_570 = arith.cmpi ne, %convert_element_type3A_568, %cond3A_569 : i32
      scf.if %cond3A_570 {
        %swap3A_576 = arith.constant 0 : index
        %swap3A_577 = arith.constant 0 : index
        %swap3A_578 = vector.load %arg14[%swap3A_576, %swap3A_577] : memref<256x2xf32, #tpu.memory_space<vmem>>, vector<256x2xf32>
        tpu.vector_store %arg14[%swap3A_576, %swap3A_577], %concatenate3A_565 {strides = array<i32>} : memref<256x2xf32, #tpu.memory_space<vmem>>, vector<256x2xf32>,
      } else {
      }
      %ne3A_571 = arith.constant 0 : i32
      %ne3A_572 = arith.cmpi ne, %select_n3A_7, %ne3A_571 : i32
      %convert_element_type3A_573 = arith.extui %ne3A_572 : i1 to i32
      %cond3A_574 = arith.constant 0 : i32
      %cond3A_575 = arith.cmpi ne, %convert_element_type3A_573, %cond3A_574 : i32
      scf.if %cond3A_575 {
        %get3A_576 = arith.constant 0 : index
        %get3A_577 = arith.constant 0 : index
        %get3A_578 = vector.load %arg14[%get3A_576, %get3A_577] : memref<256x2xf32, #tpu.memory_space<vmem>>, vector<256x2xf32>
        %add3A_579 = arith.addf %get3A_578, %concatenate3A_565 : vector<256x2xf32>
        %swap3A_580 = arith.constant 0 : index
        %swap3A_581 = arith.constant 0 : index
        %swap3A_582 = vector.load %arg14[%swap3A_580, %swap3A_581] : memref<256x2xf32, #tpu.memory_space<vmem>>, vector<256x2xf32>
        tpu.vector_store %arg14[%swap3A_580, %swap3A_581], %add3A_579 {strides = array<i32>} : memref<256x2xf32, #tpu.memory_space<vmem>>, vector<256x2xf32>,
      } else {
      }
    } else {
    }
    %ge3A = arith.constant 4 : i32
    %ge3A_11 = arith.cmpi sge, %arg0, %ge3A : i32
    %convert_element_type3A_12 = arith.extui %ge3A_11 : i1 to i32
    %cond3A_13 = arith.constant 0 : i32
    %cond3A_14 = arith.cmpi ne, %convert_element_type3A_12, %cond3A_13 : i32
    scf.if %cond3A_14 {
      %get3A = arith.index_cast %select_n3A_7 : i32 to index
      %get3A_15 = arith.constant 0 : index
      %get3A_16 = arith.constant 0 : index
      %get3A_17 = vector.load %arg13[%get3A, %get3A_15, %get3A_16] : memref<4x256x2704xf32, #tpu.memory_space<vmem>>, vector<1x256x2704xf32>
      %get3A_18 = vector.shape_cast %get3A_17 : vector<1x256x2704xf32> to vector<256x2704xf32>
      %get3A_19 = arith.index_cast %select_n3A_7 : i32 to index
      %get3A_20 = arith.constant 0 : index
      %get3A_21 = arith.constant 0 : index
      %get3A_22 = vector.load %arg15[%get3A_19, %get3A_20, %get3A_21] : memref<4x256x2704xf32, #tpu.memory_space<vmem>>, vector<1x256x2704xf32>
      %get3A_23 = vector.shape_cast %get3A_22 : vector<1x256x2704xf32> to vector<256x2704xf32>
      %get3A_24 = arith.constant 0 : index
      %get3A_25 = arith.constant 0 : index
      %get3A_26 = vector.load %arg14[%get3A_24, %get3A_25] : memref<256x2xf32, #tpu.memory_space<vmem>>, vector<256x1xf32>
      %mul3A = arith.constant 9.24556225E-5 : f32
      %mul3A_27 = vector.broadcast %mul3A : f32 to vector<256x1xf32>
      %mul3A_28 = arith.mulf %get3A_26, %mul3A_27 : vector<256x1xf32>
      %get3A_29 = arith.constant 0 : index
      %get3A_30 = arith.constant 1 : index
      %get3A_31 = vector.load %arg14[%get3A_29, %get3A_30] : memref<256x2xf32, #tpu.memory_space<vmem>>, vector<256x1xf32>
      %mul3A_32 = arith.constant 9.24556225E-5 : f32
      %mul3A_33 = vector.broadcast %mul3A_32 : f32 to vector<256x1xf32>
      %mul3A_34 = arith.mulf %get3A_31, %mul3A_33 : vector<256x1xf32>
      %mul3A_35 = arith.mulf %mul3A_28, %mul3A_28 : vector<256x1xf32>
      %sub3A = arith.subf %mul3A_34, %mul3A_35 : vector<256x1xf32>
      %get3A_36 = arith.constant 0 : index
      %get3A_37 = arith.constant 4 : index
      %get3A_38 = vector.load %arg9[%get3A_36, %get3A_37] : memref<256x7xf32, #tpu.memory_space<vmem>>, vector<256x1xf32>
      %add3A_39 = arith.constant 9.99999974E-6 : f32
      %add3A_40 = vector.broadcast %add3A_39 : f32 to vector<256x1xf32>
      %add3A_41 = arith.addf %sub3A, %add3A_40 : vector<256x1xf32>
      %rsqrt3A = math.rsqrt %add3A_41 : vector<256x1xf32>
      %mul3A_42 = arith.mulf %get3A_38, %rsqrt3A : vector<256x1xf32>
      %sub3A_43 = vector.broadcast %mul3A_28 : vector<256x1xf32> to vector<256x2704xf32>
      %sub3A_44 = arith.subf %get3A_18, %sub3A_43 : vector<256x2704xf32>
      %mul3A_45 = vector.broadcast %mul3A_42 : vector<256x1xf32> to vector<256x2704xf32>
      %mul3A_46 = arith.mulf %sub3A_44, %mul3A_45 : vector<256x2704xf32>
      %get3A_47 = arith.constant 0 : index
      %get3A_48 = arith.constant 5 : index
      %get3A_49 = vector.load %arg9[%get3A_47, %get3A_48] : memref<256x7xf32, #tpu.memory_space<vmem>>, vector<256x1xf32>
      %add3A_50 = vector.broadcast %get3A_49 : vector<256x1xf32> to vector<256x2704xf32>
      %add3A_51 = arith.addf %mul3A_46, %add3A_50 : vector<256x2704xf32>
      %max3A = arith.constant 0.000000e+00 : f32
      %max3A_52 = vector.broadcast %max3A : f32 to vector<256x2704xf32>
      %max3A_53 = arith.maximumf %add3A_51, %max3A_52 : vector<256x2704xf32>
      %get3A_54 = arith.constant 0 : index
      %get3A_55 = arith.constant 0 : index
      %get3A_56 = vector.load %arg11[%get3A_54, %get3A_55] : memref<256x256xf32, #tpu.memory_space<vmem>>, vector<256x256xf32>
      %convert_element_type3A_57 = arith.truncf %get3A_56 : vector<256x256xf32> to vector<256x256xbf16>
      %convert_element_type3A_58 = arith.truncf %max3A_53 : vector<256x2704xf32> to vector<256x2704xbf16>
      %dot_general3A = arith.constant dense<0.000000e+00> : vector<256x2704xf32>
      %dot_general3A_59 = tpu.matmul %convert_element_type3A_57, %convert_element_type3A_58, %dot_general3A {dimension_numbers = #tpu.dot_dimension_numbers<[1], [0], [0], [1], [0, 0, 1, 1], [], []>, transpose_lhs_hint = false} : vector<256x256xbf16>, vector<256x2704xbf16>, vector<256x2704xf32> -> vector<256x2704xf32>
      %get3A_60 = arith.constant 0 : index
      %get3A_61 = arith.constant 6 : index
      %get3A_62 = vector.load %arg9[%get3A_60, %get3A_61] : memref<256x7xf32, #tpu.memory_space<vmem>>, vector<256x1xf32>
      %add3A_63 = vector.broadcast %get3A_62 : vector<256x1xf32> to vector<256x2704xf32>
      %add3A_64 = arith.addf %dot_general3A_59, %add3A_63 : vector<256x2704xf32>
      %add3A_65 = arith.addf %add3A_64, %get3A_23 : vector<256x2704xf32>
      %swap3A = arith.constant 0 : index
      %swap3A_66 = arith.constant 0 : index
      %swap3A_67 = arith.constant 0 : index
      %swap3A_68 = vector.load %arg12[%swap3A, %swap3A_66, %swap3A_67] : memref<1x256x2704xf32, #tpu.memory_space<vmem>>, vector<1x256x2704xf32>
      %swap3A_69 = vector.shape_cast %swap3A_68 : vector<1x256x2704xf32> to vector<256x2704xf32>
      %swap3A_70 = vector.shape_cast %add3A_65 : vector<256x2704xf32> to vector<1x256x2704xf32>
      tpu.vector_store %arg12[%swap3A, %swap3A_66, %swap3A_67], %swap3A_70 {strides = array<i32>} : memref<1x256x2704xf32, #tpu.memory_space<vmem>>, vector<1x256x2704xf32>,
    } else {
    }
    return
  }
  func.func @transform_0(%arg0: i32) -> (i32, i32, i32) {
    %lt3A = arith.constant 4 : i32
    %lt3A_0 = arith.cmpi slt, %arg0, %lt3A : i32
    %jit3A = arith.constant 3 : i32
    %select_n3A = arith.select %lt3A_0, %arg0, %jit3A : i32
    %c0_i32 = arith.constant 0 : i32
    %c0_i32_1 = arith.constant 0 : i32
    %c0_i32_2 = arith.constant 0 : i32
    return %select_n3A, %c0_i32, %c0_i32_1 : i32, i32, i32
  }
  func.func @transform_1(%arg0: i32) -> (i32, i32) {
    %c0_i32 = arith.constant 0 : i32
    %c0_i32_0 = arith.constant 0 : i32
    %c0_i32_1 = arith.constant 0 : i32
    return %c0_i32, %c0_i32_0 : i32, i32
  }
  func.func @transform_2(%arg0: i32) -> (i32, i32) {
    %lt3A = arith.constant 4 : i32
    %lt3A_0 = arith.cmpi slt, %arg0, %lt3A : i32
    %jit3A = arith.constant 3 : i32
    %select_n3A = arith.select %lt3A_0, %arg0, %jit3A : i32
    %c0_i32 = arith.constant 0 : i32
    %c0_i32_1 = arith.constant 0 : i32
    return %select_n3A, %c0_i32 : i32, i32
  }
  func.func @transform_3(%arg0: i32) -> (i32, i32) {
    %c0_i32 = arith.constant 0 : i32
    %c0_i32_0 = arith.constant 0 : i32
    %c0_i32_1 = arith.constant 0 : i32
    return %c0_i32, %c0_i32_0 : i32, i32
  }
  func.func @transform_4(%arg0: i32) -> (i32, i32) {
    %c0_i32 = arith.constant 0 : i32
    %c0_i32_0 = arith.constant 0 : i32
    %c0_i32_1 = arith.constant 0 : i32
    return %c0_i32, %c0_i32_0 : i32, i32
  }
  func.func @transform_5(%arg0: i32) -> (i32, i32) {
    %c0_i32 = arith.constant 0 : i32
    %c0_i32_0 = arith.constant 0 : i32
    %c0_i32_1 = arith.constant 0 : i32
    return %c0_i32, %c0_i32_0 : i32, i32
  }
  func.func @transform_6(%arg0: i32) -> (i32, i32) {
    %c0_i32 = arith.constant 0 : i32
    %c0_i32_0 = arith.constant 0 : i32
    %c0_i32_1 = arith.constant 0 : i32
    return %c0_i32, %c0_i32_0 : i32, i32
  }
  func.func @transform_7(%arg0: i32) -> (i32, i32) {
    %c0_i32 = arith.constant 0 : i32
    %c0_i32_0 = arith.constant 0 : i32
    %c0_i32_1 = arith.constant 0 : i32
    return %c0_i32, %c0_i32_0 : i32, i32
  }
  func.func @transform_8(%arg0: i32) -> (i32, i32) {
    %c0_i32 = arith.constant 0 : i32
    %c0_i32_0 = arith.constant 0 : i32
    %c0_i32_1 = arith.constant 0 : i32
    return %c0_i32, %c0_i32_0 : i32, i32
  }
  func.func @transform_9(%arg0: i32) -> (i32, i32, i32) {
    %c0_i32 = arith.constant 0 : i32
    %c0_i32_0 = arith.constant 0 : i32
    %c0_i32_1 = arith.constant 0 : i32
    %c0_i32_2 = arith.constant 0 : i32
    return %c0_i32, %c0_i32_0, %c0_i32_1 : i32, i32, i32
  }
  func.func @transform_10(%arg0: i32) -> (i32, i32) {
    %c0_i32 = arith.constant 0 : i32
    %c0_i32_0 = arith.constant 0 : i32
    %c0_i32_1 = arith.constant 0 : i32
    return %c0_i32, %c0_i32_0 : i32, i32
  }
  func.func @transform_11(%arg0: i32) -> (i32, i32, i32) {
    %lt3A = arith.constant 4 : i32
    %lt3A_0 = arith.cmpi slt, %arg0, %lt3A : i32
    %sub3A = arith.constant 4 : i32
    %sub3A_1 = arith.subi %arg0, %sub3A : i32
    %jit3A = arith.constant 0 : i32
    %select_n3A = arith.select %lt3A_0, %jit3A, %sub3A_1 : i32
    %c0_i32 = arith.constant 0 : i32
    %c0_i32_2 = arith.constant 0 : i32
    %c0_i32_3 = arith.constant 0 : i32
    return %select_n3A, %c0_i32, %c0_i32_2 : i32, i32, i32
  }
}

</mosaic_0001>

<sc_bundles>
// kernel: kernel.4.cloned.1.call-start
scs
__scs_entry_jumppad:
0x0: {  	(pc) =	sbr.rel $0x88, $3  }
0x1: {  	(tag) =	ssettag $0x0;
	lr =	simm.s32 $0x1  }
0x2: {  	[smem:$0x3F90] =	sst lr;
	_ =	strace $0xD0000000  }
0x3: {  	_ = 	snop  }
0x4: {  	_ = 	snop  }
0x5: {  	_ = 	snop  }
0x6: {  	_ = 	snop  }
0x7: {  	_ = 	snop  }
__scs_overlays_trampoline_lowered:
0x8: {  	[smem:$0x3F9F] =	sst s0  }
0x9: {  	[smem:$0x3FA0] =	sst s1  }
0xa: {  	[smem:$0x3FA1] =	sst s2  }
0xb: {  	[smem:$0x3FA2] =	sst s3  }
0xc: {  	[smem:$0x3FA3] =	sst s4  }
0xd: {  	[smem:$0x3FA4] =	sst s5  }
0xe: {  	[smem:$0x3FA5] =	sst s6  }
0xf: {  	[smem:$0x3FA6] =	sst s7  }
0x10: {  	[smem:$0x3FA7] =	sst s8  }
0x11: {  	[smem:$0x3FA8] =	sst s9;
	s0 =	simm.s32 @!p0 $0x0  }
0x12: {  	s1 =	sld [smem:$0x3F8E];
	s0 =	simm.s32 @p0 $0x1  }
0x13: {  	[smem:$0x3FA9] =	sst s0;
	s0 =	simm.s32 @!p1 $0x0  }
0x14: {  	s2 =	sld [smem:$0x3F8D];
	s0 =	simm.s32 @p1 $0x1  }
0x15: {  	[smem:$0x3FAA] =	sst s0;
	s0 =	simm.s32 @!p2 $0x0  }
0x16: {  	s3 =	sld [smem:$0x3FDB];
	s0 =	simm.s32 @p2 $0x1  }
0x17: {  	s4 =	simm.s32 $0x1BF5;
	[smem:$0x3FAC] =	sst s0  }
0x18: {  	s0 =	sld [smem:$0x3F8F];
	_ =	swait.ge [sflag:s4], $0x0  }
0x19: {  	s7 =	sld [smem:$0x3F90]  }
0x1a: {  	s8 =	sadd.s32 $0xFFFFE003, lr  }
0x1b: {  	s9 =	sadd.s32 $0xFFFFFEF7, lr;
	s5 =	simm.s32 $0xFFFFFFFF;
	p2 =	slt.u32 s8, $0xFFFFF086  }
0x1c: {  	p1 =	slt.u32 s9, $0xF7A;
	s5 =	simm.s32 @!p2 $0x0  }
0x1d: {  	s5 =	simm.s32 @p1 $0x1;
	p0 =	seq.s32 s7, s2  }
0x1e: {  	s7 =	smul.u32 @!p0 $0xF7A, s2;
	p2 =	seq.s32 @!p0 s5, $0x0  }
0x1f: {  	s9 =	smul.u32 $0xF7A, s1;
	s8 =	simm.s32 @!p0 $0x1BF5;
	p2 =	por !p2, p0  }
0x20: {  	[sflag:s8] =	ssyncset.s32 @!p0 $0xFFFFF086;
	s6 =	sadd.s32 @!p0 s3, s7;
	s7 =	simm.s32 @!p0 $0x108  }
0x21: {  	s3 =	sadd.s32 s3, s9;
	s6 =	sadd.s32 @!p0 $0x88, s6;
	s7 =	simm.s32 @p2 $0x1082  }
0x22: {  	[simem:s7], [sflag:s8] =	dma.local @!p0 [hbm:s6], $0xF7A  }
0x23: {  	s9 =	sor.u32 $0xD0000000, s2;
	s6 =	simm.s32 $0x108;
	_ =	swait.ge @!p0 [sflag:s8], $0x0  }
0x24: {  	s3 =	sadd.s32 $0x88, s3;
	s6 =	simm.s32 @!p1 $0x1082;
	[sflag:s4] =	ssyncset.s32 $0xFFFFF086  }
0x25: {  	[simem:s6], [sflag:s4] =	dma.local [hbm:s3], $0xF7A  }
0x26: {  	[smem:$0x3F90] =	sst s1;
	(tag) =	ssettag s2;
	_ =	strace s9  }
0x27: {  	s1 =	sld [smem:$0x3FA0]  }
0x28: {  	s2 =	sld [smem:$0x3FA1]  }
0x29: {  	s4 =	sld [smem:$0x3FA3]  }
0x2a: {  	p0 =	seq.s32 s5, $0x0;
	s5 =	sld [smem:$0x3FA4]  }
0x2b: {  	s6 =	sld [smem:$0x3FA5]  }
0x2c: {  	s7 =	sld [smem:$0x3FA6]  }
0x2d: {  	s3 =	simm.s32 $0x108;
	s8 =	sld [smem:$0x3FA7]  }
0x2e: {  	s3 =	simm.s32 @!p0 $0x1082;
	s9 =	sld [smem:$0x3FA8]  }
0x2f: {  	lr =	sadd.s32 s0, s3;
	s0 =	sld [smem:$0x3F9F]  }
0x30: {  	s3 =	sld [smem:$0x3FA2]  }
0x31: {  	[smem:$0x3FAB] =	sst s10  }
0x32: {  	s10 =	sld [smem:$0x3FA9];
	_ =	sdelay $0x3  }
0x33: {  	p0 =	seq.s32 s10, $0x1;
	s10 =	sld [smem:$0x3FAB];
	_ =	sdelay $0x3  }
0x34: {  	[smem:$0x3FAB] =	sst s10  }
0x35: {  	s10 =	sld [smem:$0x3FAA];
	_ =	sdelay $0x3  }
0x36: {  	p1 =	seq.s32 s10, $0x1;
	s10 =	sld [smem:$0x3FAB];
	_ =	sdelay $0x3  }
0x37: {  	[smem:$0x3FAB] =	sst s10  }
0x38: {  	s10 =	sld [smem:$0x3FAC]  }
0x39: {  	_ = 	snop;
	(pc) =	sbr.ind lr, $3  }
0x3a: {  	_ = 	snop  }
0x3b: {  	_ = 	snop  }
0x3c: {  	p2 =	seq.s32 s10, $0x1;
	s10 =	sld [smem:$0x3FAB]  }
0x3d: {  	_ =	shalt  }
0x3e: {  	_ =	shalt  }
0x3f: {  	_ =	shalt  }
0x40: {  	_ =	shalt  }
0x41: {  	_ =	shalt  }
0x42: {  	_ =	shalt  }
0x43: {  	_ =	shalt  }
0x44: {  	_ =	shalt  }
0x45: {  	_ =	shalt  }
0x46: {  	_ =	shalt  }
0x47: {  	_ =	shalt  }
0x48: {  	_ =	shalt  }
0x49: {  	_ =	shalt  }
0x4a: {  	_ =	shalt  }
0x4b: {  	_ =	shalt  }
0x4c: {  	_ =	shalt  }
0x4d: {  	_ =	shalt  }
0x4e: {  	_ =	shalt  }
0x4f: {  	_ =	shalt  }
0x50: {  	_ =	shalt  }
0x51: {  	_ =	shalt  }
0x52: {  	_ =	shalt  }
0x53: {  	_ =	shalt  }
0x54: {  	_ =	shalt  }
0x55: {  	_ =	shalt  }
0x56: {  	_ =	shalt  }
0x57: {  	_ =	shalt  }
0x58: {  	_ =	shalt  }
0x59: {  	_ =	shalt  }
0x5a: {  	_ =	shalt  }
0x5b: {  	_ =	shalt  }
0x5c: {  	_ =	shalt  }
0x5d: {  	_ =	shalt  }
0x5e: {  	_ =	shalt  }
0x5f: {  	_ =	shalt  }
0x60: {  	_ =	shalt  }
0x61: {  	_ =	shalt  }
0x62: {  	_ =	shalt  }
0x63: {  	_ =	shalt  }
0x64: {  	_ =	shalt  }
0x65: {  	_ =	shalt  }
0x66: {  	_ =	shalt  }
0x67: {  	_ =	shalt  }
0x68: {  	_ =	shalt  }
0x69: {  	_ =	shalt  }
0x6a: {  	_ =	shalt  }
0x6b: {  	_ =	shalt  }
0x6c: {  	_ =	shalt  }
0x6d: {  	_ =	shalt  }
0x6e: {  	_ =	shalt  }
0x6f: {  	_ =	shalt  }
0x70: {  	_ =	shalt  }
0x71: {  	_ =	shalt  }
0x72: {  	_ =	shalt  }
0x73: {  	_ =	shalt  }
0x74: {  	_ =	shalt  }
0x75: {  	_ =	shalt  }
0x76: {  	_ =	shalt  }
0x77: {  	_ =	shalt  }
0x78: {  	_ =	shalt  }
0x79: {  	_ =	shalt  }
0x7a: {  	_ =	shalt  }
0x7b: {  	_ =	shalt  }
0x7c: {  	_ =	shalt  }
0x7d: {  	_ =	shalt  }
0x7e: {  	_ =	shalt  }
0x7f: {  	_ =	shalt  }
0x80: {  	_ =	shalt  }
0x81: {  	_ =	shalt  }
0x82: {  	_ =	shalt  }
0x83: {  	_ =	shalt  }
0x84: {  	_ =	shalt  }
0x85: {  	_ =	shalt  }
0x86: {  	_ =	shalt  }
0x87: {  	_ =	shalt  }
.Lfunc_end0:
.L_simem_size_0:
called_computation_lowered:
.L_overlay_start_0:
0x88: {  	s2 =	sld [smem:$0x3FD9]  }
0x89: {  	s3 =	sld [smem:$0x3FFE];
	_ =	sdelay $0x1  }
0x8a: {  	s1 =	srdreg.scid  }
0x8b: {  	s0 =	sand.u32 $0x1, s1  }
0x8c: {  	s17 =	sshll.u32 s0, $0xA;
	s2 =	sadd.s32 s3, s2  }
0x8d: {  	s2 =	sadd.s32 s2, s17  }
0x8e: {  	[smem:$0x3FB7] =	sst s2  }
0x8f: {  	_ = 	snop  }
0x90: {  	s2 =	sld [smem:$0x3FD0];
	(tm) =	ssettm $0x1  }
0x91: {  	s18 =	sld [smem:$0x3FFB];
	_ =	sdelay $0x3  }
0x92: {  	_ =	strace s18  }
0x93: {  	s3 =	sld [smem:$0x3FFC];
	_ =	sdelay $0x3  }
0x94: {  	_ =	strace s3  }
0x95: {  	s3 =	sld [smem:$0x3FFD];
	_ =	sdelay $0x3  }
0x96: {  	_ =	strace s3  }
0x97: {  	_ =	strace $0x8FFFFFFF  }
0x98: {  	s19 =	sld [smem:$0x3FDB];
	_ =	sdelay $0x1  }
0x99: {  	s4 =	simm.s32 $_scs_section_size  }
0x9a: {  	s5 =	simm.s32 $_size__tile_overlayer_lowered;
	s6 =	simm.s32 $_tile_overlayer_lowered  }
0x9b: {  	s22 =	simm.s32 $0x1BFF;
	s21 =	sshll.u32 s6, $0x1;
	s3 =	sadd.s32 s4, s19  }
0x9c: {  	s7 =	simm.s32 $0x0;
	s20 =	sshll.u32 s5, $0x1;
	s5 =	sadd.s32 s21, s3  }
0x9d: {  	[timem:s7], [sflag:s22] =	dma.local [hbm:s5], s20  }
0x9e: {  	_ =	swait.ge [sflag:s22], s20  }
0x9f: {  	s4 =	ssub.s32 $0x0, s20;
	[sflag:s22] =	ssyncset.done $0x0  }
0xa0: {  	[sflag:s22] =	ssyncadd.s32 s4;
	_ =	sdelay $0x1  }
0xa1: {  	s23 =	simm.s32 $0x1B8B  }
0xa2: {  	_ =	swait.ge [sflag:s23], $0x1  }
0xa3: {  	[sflag:s23] =	ssyncset.done $0x0  }
0xa4: {  	s25 =	simm.s32 $0x1B8E;
	s24 =	sld [smem:$0x3FFE];
	[sflag:s23] =	ssyncadd.s32 $0xFFFFFFFF  }
0xa5: {  	s26 =	simm.s32 $execute0_lowered;
	[smem:$0x3FD2] =	sst s25  }
0xa6: {  	s5 =	sshll.u32 s26, $0x1;
	_ =	strace $0x80000046;
	[dreg:$0x1] =	wrdreg $0xFFFFFFFF  }
0xa7: {  	s28 =	simm.s32 $_size_execute0_lowered;
	s3 =	sadd.s32 s3, s5;
	[dreg:$0x0] =	wrdreg $0x0  }
0xa8: {  	s5 =	sshll.u32 s28, $0x1;
	[dreg:$0x2] =	wrdreg s3  }
0xa9: {  	[dreg:$0x3] =	wrdreg s5  }
0xaa: {  	[dreg:$0x4] =	wrdreg $0xC0  }
0xab: {  	_ =	task [dreg:s7], $0x5FFFF  }
0xac: {  	[dreg:$0x1] =	wrdreg $0xFFFFFFFF  }
0xad: {  	[dreg:$0x0] =	wrdreg $0x60  }
0xae: {  	[dreg:$0x2] =	wrdreg s2  }
0xaf: {  	[dreg:$0x3] =	wrdreg s24  }
0xb0: {  	[dreg:$0x4] =	wrdreg $0x9  }
0xb1: {  	_ =	task.clear_ibuf [dreg:s7], $0x5FFFF;
	_ =	strace $0x90000046  }
0xb2: {  	s29 =	simm.s32 $0x9;
	_ =	strace $0x80000048  }
0xb3: {  	_ =	swait.ge [sflag:s29], $0x1  }
0xb4: {  	[sflag:s29] =	ssyncadd.s32 $0xFFFFFFFF  }
0xb5: {  	_ =	strace $0x90000048  }
0xb6: {  	_ =	sfence  }
0xb7: {  	s30 =	sld [smem:$0x0];
	_ =	sdelay $0x2  }
0xb8: {  	s31 =	sshll.u32 s1, $0xD;
	s1 =	sshrl.u32 s1, $0x2  }
0xb9: {  	s3 =	sand.u32 $0x4000, s31;
	s1 =	sadd.s32 s1, s30  }
0xba: {  	s0 =	sor.u32 s3, s0;
	s1 =	sshll.u32 s1, $0x11  }
0xbb: {  	s0 =	sor.u32 s1, s0  }
0xbc: {  	s0 =	sadd.s32 $0x8F2B, s0  }
0xbd: {  	[sflag:s0] =	ssyncadd.remote.s32 $0x1  }
0xbe: {  	_ =	sfence.sel $0xFFFF  }
0xbf: {  	[dreg:$0x0] =	wrdreg $0xFFFFFFFF;
	(pc) =	sbr.abs _section_cstart, $3  }
0xc0: {  	[dreg:$0x1] =	wrdreg $0xFFFFFFFF  }
0xc1: {  	_ =	task.clear_ibuf [dreg:s7], $0x2FFFF;
	_ =	strace $0x9FFFFFFF  }
0xc2: {  	(tm) =	ssettm $0x7FFFFFFF  }
0xc3: {  	_ =	shalt  }
tec
execute0_lowered:
.L_overlay_start_1:
0x0: {  	(tag) =	ssettag $0x1  }
0x1: {  	s3 =	rddreg [dreg:$0x0]  }
0x2: {  	s4 =	rddreg [dreg:$0x1];
	s2 =	simm.s32 $0x0  }
0x3: {  	[smem:$0x7FF] =	sst s2  }
0x4: {  	s0 =	rddreg [dreg:$0x2];
	v0 =	vimm.f32 $4.160000000e+02;
	_ =	strace $0x80000047  }
0x5: {  	s5 =	srdreg.scid;
	(erf) = vrcp.f32 v0  }
0x6: {  	s1 =	stileid.u32;
	s10 =	simm.s32 $0x1000;
	s11 =	simm.s32 $0x2000  }
0x7: {  	s5 =	sand.u32 $0x1, s5;
	s6 =	sshll.u32 s1, $0x1;
	s7 =	sshrl.u32 s1, $0x2  }
0x8: {  	s6 =	sor.u32 s5, s6;
	s8 =	smul.u32 $0x5800, s7;
	s7 =	sshll.u32 s7, $0x5  }
0x9: {  	s5 =	ssub.s32 $0x2, s5;
	s9 =	sshll.u32 s6, $0x7;
	s6 =	sshll.u32 s6, $0xC  }
0xa: {  	s30 =	sshrl.u32 s5, $0x1;
	s9 =	sand.u32 $0x380, s9;
	s6 =	sand.u32 $0x7000, s6  }
0xb: {  	s31 =	ssub.s32 s5, s30;
	s8 =	sor.u32 s8, s9;
	s6 =	sor.u32 s7, s6  }
0xc: {  	s7 =	simm.s32 $0x80;
	s9 =	simm.s32 $0x1;
	s8 =	sshrl.u32 s8, $0x3  }
0xd: {  	s3 =	sadd.s32 s3, s6;
	s6 =	smax.u32 s31, $0x1;
	s29 =	sadd.s32 s8, s4  }
0xe: {  	v1 =	vimm.f32 $0.0e+00;
	v2 =	vimm.f32 $1.000000000e+00;
	s4 =	sadd.s32 $0x10, s3;
	s8 =	simm.s32 $0x400;
	s5 =	sadd.s32 $0x400, s29;
	v0 =	vpop (erf)  }
.LBB2_1:
0xf: {  	s12 =	simm.s32 $0x40;
	s13 =	simm.s32 $0x0  }
.LBB2_2:
0x10: {  	p0 =	sne.s32 s12, $0x2A00;
	[tilespmem:s13+$0x2000] =	vst v1;
	s13 =	smov.u32 s12;
	s12 =	sadd.s32 $0x40, s12  }
.Ltmp0:
0x11: {  	(pc) =	sbr.rel @p0 .LBB2_2-.Ltmp0, $2  }
0x12: {  	_ =	sdelay $0x2  }
0x13: {  	s13 =	sshra.s32 s13, $0x2  }
0x14: {  	[tilespmem:s13+$0x2000] =	vst v1;
	s12 =	simm.s32 $0x0  }
0x15: {  	[tilespmem:s12], [sflag:$0x1] =	stream.strided.gather [hbm4b:s3+s7], $0x1000, s8, s7, $0x38;
	[tilespmem:$0x2B00] =	vst v63  }
0x16: {  	_ =	swait.ge [sflag:s9], $0x1000  }
0x17: {  	[sflag:s9] =	ssyncset.done $0x0  }
0x18: {  	[sflag:s9] =	ssyncadd.s32 $0xFFFFF000  }
0x19: {  	[tilespmem:s10], [sflag:$0x1] =	stream.strided.gather [hbm4b:s4+s7], $0x1000, s8, s7, $0x38;
	[tilespmem:$0x2B00] =	vst v63  }
0x1a: {  	_ =	swait.ge [sflag:s9], $0x1000  }
0x1b: {  	[sflag:s9] =	ssyncset.done $0x0  }
0x1c: {  	s13 =	simm.s32 $0x0;
	s12 =	simm.s32 $0x40;
	[sflag:s9] =	ssyncadd.s32 $0xFFFFF000  }
.LBB2_4:
0x1d: {  	p0 =	sne.s32 s12, $0x3FC0;
	v3 =	vld [tilespmem:s13+$0x0]  }
0x1e: {  	v4 =	vld [tilespmem:s13+$0x1000];
	_ =	sdelay $0x3  }
0x1f: {  	v5 =	vmul.f32 $5.200000000e+01, v3  }
0x20: {  	v6 =	vmul.f32 $5.200000000e+01, v4  }
0x21: {  	v5 =	vmul.f32 v5, v0  }
0x22: {  	v6 =	vmul.f32 v6, v0  }
0x23: {  	v5 =	vtrunc.f32 v5  }
0x24: {  	v5 =	vcvt.f32.s32 v5;
	v6 =	vtrunc.f32 v6  }
0x25: {  	vm0 =	vge.f32 v3, $0.0e+00;
	vm1 =	vge.f32 v4, $0.0e+00;
	v6 =	vcvt.f32.s32 v6  }
0x26: {  	vm0 =	vmand vm0, vm1;
	vm1 =	vlt.s32 v5, $0x34  }
0x27: {  	vm0 =	vmand vm0, vm1;
	vm1 =	vlt.s32 v6, $0x34;
	v3 =	vmul.u32 $0x34, v6  }
0x28: {  	vm0 =	vmand vm0, vm1  }
0x29: {  	v3 =	vadd.s32 v5, v3  }
.Ltmp1:
0x2a: {  	(pc) =	sbr.rel @p0 .LBB2_4-.Ltmp1, $2  }
0x2b: {  	_ =	sdelay $0x2  }
0x2c: {  	s13 =	sshra.s32 s12, $0x2;
	s12 =	sadd.s32 $0x40, s12;
	[tilespmem:v3+s11+$0x0] =	vst.idx.msk vm0, v2  }
0x2d: {  	v3 =	vld [tilespmem:s13+$0x0]  }
0x2e: {  	v4 =	vld [tilespmem:s13+$0x1000];
	_ =	sdelay $0x3  }
0x2f: {  	v5 =	vmul.f32 $5.200000000e+01, v3  }
0x30: {  	v6 =	vmul.f32 $5.200000000e+01, v4  }
0x31: {  	v5 =	vmul.f32 v5, v0  }
0x32: {  	v6 =	vmul.f32 v6, v0  }
0x33: {  	v5 =	vtrunc.f32 v5  }
0x34: {  	v6 =	vtrunc.f32 v6;
	v5 =	vcvt.f32.s32 v5  }
0x35: {  	vm0 =	vge.f32 v3, $0.0e+00;
	vm1 =	vge.f32 v4, $0.0e+00;
	v6 =	vcvt.f32.s32 v6  }
0x36: {  	vm0 =	vmand vm0, vm1;
	vm14 =	vlt.s32 v5, $0x34  }
0x37: {  	vm15 =	vlt.s32 v6, $0x34;
	v3 =	vmul.u32 $0x34, v6;
	vm0 =	vmand vm0, vm14  }
0x38: {  	vm0 =	vmand vm0, vm15  }
0x39: {  	v3 =	vadd.s32 v5, v3;
	_ =	sdelay $0x2  }
0x3a: {  	s2 =	sadd.s32 $0x1, s2  }
0x3b: {  	p0 =	sne.s32 s2, s6  }
.Ltmp2:
0x3c: {  	[tilespmem:v3+s11+$0x0] =	vst.idx.msk vm0, v2;
	(pc) =	sbr.rel @p0 .LBB2_1-.Ltmp2, $4  }
0x3d: {  	[hbm4b:s5+s7] =	stream.strided.scatter [tilespmem:s11], [sflag:$0x1], $0xB00, s8, s7, $0x38;
	[tilespmem:$0x2B00] =	vst v63  }
0x3e: {  	_ =	swait.ge [sflag:s9], $0xB00  }
0x3f: {  	[sflag:s9] =	ssyncset.done $0x0  }
0x40: {  	[sflag:s9] =	ssyncadd.s32 $0xFFFFF500  }
0x41: {  	_ =	sfence.sel $0x180000  }
0x42: {  	[bflag:$0x0] =	sbarrier.arrive $0xFFFF  }
0x43: {  	p0 =	sne.s32 s1, $0x0;
	_ =	strace $0x90000047  }
0x44: {  	s0 =	sadd.s32 @!p0 $0x100000, s0;
	[bflag:$0x2] =	sbarrier.arrive $0xFFFF  }
0x45: {  	[sflag:s0] =	ssyncadd.tile.s32 @!p0 $0x1;
	_ =	shalt  }
.Lfunc_end2:
_tile_overlayer_lowered:
.L_overlay_start_2:
0x46: {  	(tag) =	ssettag $0x2  }
0x47: {  	s0 =	rddreg [dreg:$0x0];
	s2 =	stileid.u32  }
0x48: {  	s1 =	rddreg [dreg:$0x1];
	p0 =	sne.s32 s2, $0x0  }
0x49: {  	s3 =	rddreg [dreg:$0x2];
	[bflag:$0x3] =	sbarrier.arrive $0xFFFF;
	s2 =	simm.s32 @!p0 $0x1C01  }
0x4a: {  	[timem:s3], [sflag:s2] =	dma.local @!p0 [hbm:s0], s1  }
0x4b: {  	s0 =	simm.s32 @!p0 $0x1  }
0x4c: {  	_ =	swait.ge @!p0 [sflag:s0], s1  }
0x4d: {  	s1 =	ssub.s32 @!p0 $0x0, s1;
	[sflag:s0] =	ssyncset.done @!p0 $0x0  }
0x4e: {  	[sflag:s0] =	ssyncadd.s32 @!p0 s1  }
0x4f: {  	[bflag:$0x3] =	sbarrier.arrive $0xFFFF  }
0x50: {  	_ =	shalt  }

</sc_bundles>
